<compile_context>
chip_gen: v7x
topology: tpu7x:2x2x1
jax: 0.10.2.dev20260603
libtpu: 0.0.44.dev20260713+nightly
codegen_flags: <defaults>
</compile_context>

<pallas_src>
import functools

import jax
import jax.numpy as jnp
from jax import lax
from jax.experimental import pallas as pl
from jax.experimental.pallas import tpu as pltpu
from jax.experimental.pallas import tpu_sc as plsc

_LANES = 16
_EDGE_CHUNK = 8192


def _sparse_linear_sc(features, weights, bias, packed_idx):
    batch, n_in = features.shape
    n_out = bias.shape[0]
    nnz = packed_idx.shape[0]
    in_bits = (n_in - 1).bit_length()
    in_mask = (1 << in_bits) - 1

    info = plsc.get_sparse_core_info()
    num_workers = info.num_cores * info.num_subcores
    assert batch % num_workers == 0
    rows_per_worker = batch // num_workers

    n_chunks = -(-nnz // _EDGE_CHUNK)
    groups_per_chunk = _EDGE_CHUNK // _LANES

    mesh = plsc.VectorSubcoreMesh(core_axis_name="c", subcore_axis_name="s")

    @functools.partial(
        pl.kernel,
        out_type=jax.ShapeDtypeStruct((batch, n_out), jnp.float32),
        mesh=mesh,
        compiler_params=pltpu.CompilerParams(needs_layout_passes=False),
        scratch_types=(
            [pltpu.VMEM((n_in,), jnp.float32)] * rows_per_worker
            + [pltpu.VMEM((n_out,), jnp.float32)] * rows_per_worker
            + [
                pltpu.VMEM((_EDGE_CHUNK,), jnp.int32),
                pltpu.VMEM((_EDGE_CHUNK,), jnp.float32),
            ]
        ),
    )
    def run(feat_hbm, w_hbm, bias_hbm, pk_hbm, y_hbm, *scratch):
        feat_v = scratch[:rows_per_worker]
        acc_v = scratch[rows_per_worker:2 * rows_per_worker]
        pk_v, w_v = scratch[2 * rows_per_worker:]
        wid = lax.axis_index("s") * info.num_cores + lax.axis_index("c")
        row0 = wid * rows_per_worker

        for r in range(rows_per_worker):
            pltpu.sync_copy(feat_hbm.at[row0 + r], feat_v[r])
            pltpu.sync_copy(bias_hbm, acc_v[r])

        lanes = lax.iota(jnp.int32, _LANES)
        lanes_p1 = jnp.minimum(lanes + 1, _LANES - 1)
        is_last_lane = lanes == (_LANES - 1)
        not_last_lane = jnp.logical_not(is_last_lane)

        def do_chunk(c, _):
            off = c * _EDGE_CHUNK
            pltpu.sync_copy(pk_hbm.at[pl.ds(off, _EDGE_CHUNK)], pk_v)
            pltpu.sync_copy(w_hbm.at[pl.ds(off, _EDGE_CHUNK)], w_v)

            @plsc.parallel_loop(0, _EDGE_CHUNK, _LANES, unroll=8)
            def do_group(s):
                pk16 = pk_v[pl.ds(s, _LANES)]
                w16 = w_v[pl.ds(s, _LANES)]
                ks, ws = plsc.sort_key_val(pk16, w16)
                i16s = ks & in_mask
                o16s = ks >> in_bits
                onext = ks.at[lanes_p1].get(mode="promise_in_bounds") >> in_bits
                seg_last = jnp.logical_or(o16s != onext, is_last_lane)
                seg_last_inner = jnp.logical_and(seg_last, not_last_lane)

                for r in range(rows_per_worker):
                    vals = plsc.load_gather(feat_v[r], [i16s])
                    csum = plsc.cumsum(vals * ws)
                    plsc.addupdate_scatter(acc_v[r], [o16s], csum,
                                           mask=seg_last)
                    plsc.addupdate_scatter(acc_v[r], [onext], -csum,
                                           mask=seg_last_inner)
            return _

        lax.fori_loop(0, n_chunks, do_chunk, 0)

        for r in range(rows_per_worker):
            pltpu.sync_copy(acc_v[r], y_hbm.at[row0 + r])

    return run(features, weights, bias, packed_idx)


def kernel(features, weights, bias, in_idx, out_idx):
    n_in = features.shape[1]
    n_out = bias.shape[0]
    in_bits = (n_in - 1).bit_length()
    assert in_bits + (n_out - 1).bit_length() <= 31
    packed_idx = (out_idx << in_bits) | in_idx
    nnz = in_idx.shape[0]
    padded = -(-nnz // _EDGE_CHUNK) * _EDGE_CHUNK
    pad = padded - nnz
    if pad:
        packed_idx = jnp.pad(packed_idx, (0, pad))
        weights = jnp.pad(weights, (0, pad))
    return _sparse_linear_sc(features, weights, bias, packed_idx)

# --- scband reference (transcript-rebuilt; emitter-appended) ---
"""Pipeline reference for scband-aedecoder-44848048505587 (READ-ONLY COPY).

The authoritative reference and input builder live on the scoring server;
editing this copy changes nothing except your own understanding.
"""

import jax, jax.numpy as jnp
import numpy as np

B = 64
N_IN = 16384
N_OUT = 16384
NNZ = 268435


def setup_inputs(seed: int = 0) -> dict:
    key = jax.random.key(seed)
    k1, k2, k3, k4, k5 = jax.random.split(key, 5)
    features = jax.random.normal(k1, (B, N_IN), dtype=jnp.float32)
    # SparseLinear connectivity: row 0 = output indices, row 1 = input indices
    out_idx = jax.random.randint(k2, (NNZ,), 0, N_OUT, dtype=jnp.int32)
    in_idx = jax.random.randint(k3, (NNZ,), 0, N_IN, dtype=jnp.int32)
    # learned sparse weights (one scalar per connectivity edge) + dense bias
    fan_in = max(NNZ // N_OUT, 1)
    weights = jax.random.normal(k4, (NNZ,), dtype=jnp.float32) * (1.0 / np.sqrt(fan_in))
    bias = jax.random.normal(k5, (N_OUT,), dtype=jnp.float32) * 0.01
    return {"features": features, "weights": weights, "bias": bias, "in_idx": in_idx, "out_idx": out_idx}


def reference(features, weights, bias, in_idx, out_idx):
    # Sparse linear layer with explicit connectivity (faithful to sparselinear.SparseLinear):
    # y[b, o] = sum_{e : out_idx[e]==o} weights[e] * x[b, in_idx[e]] + bias[o]
    gathered = jnp.take(features, in_idx, axis=1) * weights[None, :]  # [B, NNZ]
    out = jax.ops.segment_sum(gathered.T, out_idx, num_segments=N_OUT).T  # [B, N_OUT]
    return out + bias[None, :]

if __name__ == "__main__":
    import jax
    _d = setup_inputs()
    print(jax.jit(kernel)(*tuple(_d.values())))

</pallas_src>

<mosaic_0001>
#map = affine_map<(d0, d1) -> (0, 0)>
#map1 = affine_map<(d0, d1) -> (0)>
module attributes {stable_mosaic.version = 14 : i64} {
  func.func @run(%arg0: i32, %arg1: i32, %arg2: memref<64x16384xf32, #tpu.memory_space<hbm>>, %arg3: memref<270336xf32, #tpu.memory_space<hbm>>, %arg4: memref<16384xf32, #tpu.memory_space<hbm>>, %arg5: memref<270336xi32, #tpu.memory_space<hbm>>, %arg6: memref<64x16384xf32, #tpu.memory_space<hbm>>, %arg7: memref<16384xf32, #tpu.memory_space<vmem>>, %arg8: memref<16384xf32, #tpu.memory_space<vmem>>, %arg9: memref<16384xf32, #tpu.memory_space<vmem>>, %arg10: memref<16384xf32, #tpu.memory_space<vmem>>, %arg11: memref<8192xi32, #tpu.memory_space<vmem>>, %arg12: memref<8192xf32, #tpu.memory_space<vmem>>) attributes {dimension_semantics = [#tpu.dimension_semantics<core_parallel>, #tpu.dimension_semantics<subcore_parallel>], iteration_bounds = array<i64: 2, 16>, scalar_prefetch = 0 : i64, scratch_operands = 6 : i64, tpu.core_type = #tpu.core_type<sc_vector_subcore>, window_params = [{transform_indices = #map}, {transform_indices = #map1}, {transform_indices = #map1}, {transform_indices = #map1}, {transform_indices = #map}]} {
    %mul3A = arith.constant 2 : i32
    %mul3A_0 = arith.muli %arg1, %mul3A : i32
    %add3A = arith.addi %mul3A_0, %arg0 : i32
    %mul3A_1 = arith.constant 2 : i32
    %mul3A_2 = arith.muli %add3A, %mul3A_1 : i32
    %add3A_3 = arith.constant 0 : i32
    %add3A_4 = arith.addi %mul3A_2, %add3A_3 : i32
    "tpu.region"() ({
      %run_scoped3A = tpu.sem_alloc : memref<!tpu.dma_semaphore, #tpu.memory_space<semaphore_mem>>
      %dma_start3A = arith.constant 0 : i32
      %dma_start3A_24 = tpu.memref_slice %arg2[%add3A_4, %dma_start3A] : memref<64x16384xf32, #tpu.memory_space<hbm>> -> memref<1x16384xf32, #tpu.memory_space<hbm>>
      %dma_start3A_25 = tpu.memref_squeeze %dma_start3A_24 : memref<1x16384xf32, #tpu.memory_space<hbm>> -> memref<16384xf32, #tpu.memory_space<hbm>>
      %dma_start3A_26 = arith.constant 0 : i32
      %dma_start3A_27 = tpu.memref_slice %arg2[%add3A_4, %dma_start3A_26] : memref<64x16384xf32, #tpu.memory_space<hbm>> -> memref<1x16384xf32, #tpu.memory_space<hbm>>
      %dma_start3A_28 = tpu.memref_squeeze %dma_start3A_27 : memref<1x16384xf32, #tpu.memory_space<hbm>> -> memref<16384xf32, #tpu.memory_space<hbm>>
      tpu.enqueue_dma source(%dma_start3A_28 : memref<16384xf32, #tpu.memory_space<hbm>>) target(%arg7 : memref<16384xf32, #tpu.memory_space<vmem>>) target_semaphore(%run_scoped3A : memref<!tpu.dma_semaphore, #tpu.memory_space<semaphore_mem>>)
      %dma_wait3A = arith.constant 0 : i32
      %dma_wait3A_29 = tpu.memref_slice %arg2[%add3A_4, %dma_wait3A] : memref<64x16384xf32, #tpu.memory_space<hbm>> -> memref<1x16384xf32, #tpu.memory_space<hbm>>
      %dma_wait3A_30 = tpu.memref_squeeze %dma_wait3A_29 : memref<1x16384xf32, #tpu.memory_space<hbm>> -> memref<16384xf32, #tpu.memory_space<hbm>>
      %dma_wait3A_31 = arith.constant 0 : i32
      %dma_wait3A_32 = tpu.memref_slice %arg2[%add3A_4, %dma_wait3A_31] : memref<64x16384xf32, #tpu.memory_space<hbm>> -> memref<1x16384xf32, #tpu.memory_space<hbm>>
      %dma_wait3A_33 = tpu.memref_squeeze %dma_wait3A_32 : memref<1x16384xf32, #tpu.memory_space<hbm>> -> memref<16384xf32, #tpu.memory_space<hbm>>
      tpu.wait_dma2 semaphore(%run_scoped3A : memref<!tpu.dma_semaphore, #tpu.memory_space<semaphore_mem>>) src(%dma_wait3A_33 : memref<16384xf32, #tpu.memory_space<hbm>>) dst(%arg7 : memref<16384xf32, #tpu.memory_space<vmem>>)
      tpu.yield
    }) : () -> ()
    "tpu.region"() ({
      %run_scoped3A = tpu.sem_alloc : memref<!tpu.dma_semaphore, #tpu.memory_space<semaphore_mem>>
      tpu.enqueue_dma source(%arg4 : memref<16384xf32, #tpu.memory_space<hbm>>) target(%arg9 : memref<16384xf32, #tpu.memory_space<vmem>>) target_semaphore(%run_scoped3A : memref<!tpu.dma_semaphore, #tpu.memory_space<semaphore_mem>>)
      tpu.wait_dma2 semaphore(%run_scoped3A : memref<!tpu.dma_semaphore, #tpu.memory_space<semaphore_mem>>) src(%arg4 : memref<16384xf32, #tpu.memory_space<hbm>>) dst(%arg9 : memref<16384xf32, #tpu.memory_space<vmem>>)
      tpu.yield
    }) : () -> ()
    %add3A_5 = arith.constant 1 : i32
    %add3A_6 = arith.addi %mul3A_2, %add3A_5 : i32
    "tpu.region"() ({
      %run_scoped3A = tpu.sem_alloc : memref<!tpu.dma_semaphore, #tpu.memory_space<semaphore_mem>>
      %dma_start3A = arith.constant 0 : i32
      %dma_start3A_24 = tpu.memref_slice %arg2[%add3A_6, %dma_start3A] : memref<64x16384xf32, #tpu.memory_space<hbm>> -> memref<1x16384xf32, #tpu.memory_space<hbm>>
      %dma_start3A_25 = tpu.memref_squeeze %dma_start3A_24 : memref<1x16384xf32, #tpu.memory_space<hbm>> -> memref<16384xf32, #tpu.memory_space<hbm>>
      %dma_start3A_26 = arith.constant 0 : i32
      %dma_start3A_27 = tpu.memref_slice %arg2[%add3A_6, %dma_start3A_26] : memref<64x16384xf32, #tpu.memory_space<hbm>> -> memref<1x16384xf32, #tpu.memory_space<hbm>>
      %dma_start3A_28 = tpu.memref_squeeze %dma_start3A_27 : memref<1x16384xf32, #tpu.memory_space<hbm>> -> memref<16384xf32, #tpu.memory_space<hbm>>
      tpu.enqueue_dma source(%dma_start3A_28 : memref<16384xf32, #tpu.memory_space<hbm>>) target(%arg8 : memref<16384xf32, #tpu.memory_space<vmem>>) target_semaphore(%run_scoped3A : memref<!tpu.dma_semaphore, #tpu.memory_space<semaphore_mem>>)
      %dma_wait3A = arith.constant 0 : i32
      %dma_wait3A_29 = tpu.memref_slice %arg2[%add3A_6, %dma_wait3A] : memref<64x16384xf32, #tpu.memory_space<hbm>> -> memref<1x16384xf32, #tpu.memory_space<hbm>>
      %dma_wait3A_30 = tpu.memref_squeeze %dma_wait3A_29 : memref<1x16384xf32, #tpu.memory_space<hbm>> -> memref<16384xf32, #tpu.memory_space<hbm>>
      %dma_wait3A_31 = arith.constant 0 : i32
      %dma_wait3A_32 = tpu.memref_slice %arg2[%add3A_6, %dma_wait3A_31] : memref<64x16384xf32, #tpu.memory_space<hbm>> -> memref<1x16384xf32, #tpu.memory_space<hbm>>
      %dma_wait3A_33 = tpu.memref_squeeze %dma_wait3A_32 : memref<1x16384xf32, #tpu.memory_space<hbm>> -> memref<16384xf32, #tpu.memory_space<hbm>>
      tpu.wait_dma2 semaphore(%run_scoped3A : memref<!tpu.dma_semaphore, #tpu.memory_space<semaphore_mem>>) src(%dma_wait3A_33 : memref<16384xf32, #tpu.memory_space<hbm>>) dst(%arg8 : memref<16384xf32, #tpu.memory_space<vmem>>)
      tpu.yield
    }) : () -> ()
    "tpu.region"() ({
      %run_scoped3A = tpu.sem_alloc : memref<!tpu.dma_semaphore, #tpu.memory_space<semaphore_mem>>
      tpu.enqueue_dma source(%arg4 : memref<16384xf32, #tpu.memory_space<hbm>>) target(%arg10 : memref<16384xf32, #tpu.memory_space<vmem>>) target_semaphore(%run_scoped3A : memref<!tpu.dma_semaphore, #tpu.memory_space<semaphore_mem>>)
      tpu.wait_dma2 semaphore(%run_scoped3A : memref<!tpu.dma_semaphore, #tpu.memory_space<semaphore_mem>>) src(%arg4 : memref<16384xf32, #tpu.memory_space<hbm>>) dst(%arg10 : memref<16384xf32, #tpu.memory_space<vmem>>)
      tpu.yield
    }) : () -> ()
    %iota3A = tpu.iota {dimensions = array<i32: 0>} : vector<16xi32>
    %add3A_7 = arith.constant 1 : i32
    %add3A_8 = vector.broadcast %add3A_7 : i32 to vector<16xi32>
    %add3A_9 = arith.addi %iota3A, %add3A_8 : vector<16xi32>
    %min3A = arith.constant 15 : i32
    %min3A_10 = vector.broadcast %min3A : i32 to vector<16xi32>
    %min3A_11 = arith.minsi %add3A_9, %min3A_10 : vector<16xi32>
    %eq3A = arith.constant 15 : i32
    %eq3A_12 = vector.broadcast %eq3A : i32 to vector<16xi32>
    %eq3A_13 = arith.cmpi eq, %iota3A, %eq3A_12 : vector<16xi32>
    %not3A = arith.constant dense<true> : vector<16xi1>
    %not3A_14 = arith.xori %eq3A_13, %not3A : vector<16xi1>
    %scan3A = arith.constant 0 : i32
    %scan3A_15 = arith.constant 0 : i32
    %scan3A_16 = arith.constant 33 : i32
    %scan3A_17 = arith.addi %scan3A_15, %scan3A_16 : i32
    %scan3A_18 = arith.constant 1 : i32
    scf.for %scan3A_24 = %scan3A_15 to %scan3A_17 step %scan3A_18  : i32 {
      %mul3A_25 = arith.constant 8192 : i32
      %mul3A_26 = arith.muli %scan3A_24, %mul3A_25 : i32
      "tpu.region"() ({
        %run_scoped3A = tpu.sem_alloc : memref<!tpu.dma_semaphore, #tpu.memory_space<semaphore_mem>>
        %dma_start3A = tpu.memref_slice %arg5[%mul3A_26] : memref<270336xi32, #tpu.memory_space<hbm>> -> memref<8192xi32, #tpu.memory_space<hbm>>
        %dma_start3A_29 = tpu.memref_slice %arg5[%mul3A_26] : memref<270336xi32, #tpu.memory_space<hbm>> -> memref<8192xi32, #tpu.memory_space<hbm>>
        tpu.enqueue_dma source(%dma_start3A_29 : memref<8192xi32, #tpu.memory_space<hbm>>) target(%arg11 : memref<8192xi32, #tpu.memory_space<vmem>>) target_semaphore(%run_scoped3A : memref<!tpu.dma_semaphore, #tpu.memory_space<semaphore_mem>>)
        %dma_wait3A = tpu.memref_slice %arg5[%mul3A_26] : memref<270336xi32, #tpu.memory_space<hbm>> -> memref<8192xi32, #tpu.memory_space<hbm>>
        %dma_wait3A_30 = tpu.memref_slice %arg5[%mul3A_26] : memref<270336xi32, #tpu.memory_space<hbm>> -> memref<8192xi32, #tpu.memory_space<hbm>>
        tpu.wait_dma2 semaphore(%run_scoped3A : memref<!tpu.dma_semaphore, #tpu.memory_space<semaphore_mem>>) src(%dma_wait3A_30 : memref<8192xi32, #tpu.memory_space<hbm>>) dst(%arg11 : memref<8192xi32, #tpu.memory_space<vmem>>)
        tpu.yield
      }) : () -> ()
      "tpu.region"() ({
        %run_scoped3A = tpu.sem_alloc : memref<!tpu.dma_semaphore, #tpu.memory_space<semaphore_mem>>
        %dma_start3A = tpu.memref_slice %arg3[%mul3A_26] : memref<270336xf32, #tpu.memory_space<hbm>> -> memref<8192xf32, #tpu.memory_space<hbm>>
        %dma_start3A_29 = tpu.memref_slice %arg3[%mul3A_26] : memref<270336xf32, #tpu.memory_space<hbm>> -> memref<8192xf32, #tpu.memory_space<hbm>>
        tpu.enqueue_dma source(%dma_start3A_29 : memref<8192xf32, #tpu.memory_space<hbm>>) target(%arg12 : memref<8192xf32, #tpu.memory_space<vmem>>) target_semaphore(%run_scoped3A : memref<!tpu.dma_semaphore, #tpu.memory_space<semaphore_mem>>)
        %dma_wait3A = tpu.memref_slice %arg3[%mul3A_26] : memref<270336xf32, #tpu.memory_space<hbm>> -> memref<8192xf32, #tpu.memory_space<hbm>>
        %dma_wait3A_30 = tpu.memref_slice %arg3[%mul3A_26] : memref<270336xf32, #tpu.memory_space<hbm>> -> memref<8192xf32, #tpu.memory_space<hbm>>
        tpu.wait_dma2 semaphore(%run_scoped3A : memref<!tpu.dma_semaphore, #tpu.memory_space<semaphore_mem>>) src(%dma_wait3A_30 : memref<8192xf32, #tpu.memory_space<hbm>>) dst(%arg12 : memref<8192xf32, #tpu.memory_space<vmem>>)
        tpu.yield
      }) : () -> ()
      %parallel_loop3A = arith.constant 0 : i32
      %parallel_loop3A_27 = arith.constant 8192 : i32
      %parallel_loop3A_28 = arith.constant 16 : i32
      scf.for %parallel_loop3A_29 = %parallel_loop3A to %parallel_loop3A_27 step %parallel_loop3A_28  : i32 {
        %parallel_loop3A_30 = arith.index_cast %parallel_loop3A_29 : i32 to index
        %parallel_loop3A_31 = tpu.vector_load %arg11[%parallel_loop3A_30] {strides = array<i32>} : memref<8192xi32, #tpu.memory_space<vmem>>, vector<16xi32>,
        %parallel_loop3A_32 = arith.index_cast %parallel_loop3A_29 : i32 to index
        %parallel_loop3A_33 = tpu.vector_load %arg12[%parallel_loop3A_32] {strides = array<i32>} : memref<8192xf32, #tpu.memory_space<vmem>>, vector<16xf32>,
        %parallel_loop3A_34 = arith.constant dense<true> : vector<16xi1>
        %parallel_loop3A_35 = arith.constant -2147483648 : i32
        %parallel_loop3A_36 = vector.broadcast %parallel_loop3A_35 : i32 to vector<16xi32>
        %parallel_loop3A_37 = arith.xori %parallel_loop3A_31, %parallel_loop3A_36 : vector<16xi32>
        %parallel_loop3A_38, %parallel_loop3A_39, %parallel_loop3A_40 = tpu.sort %parallel_loop3A_37, %parallel_loop3A_33 masked %parallel_loop3A_34 : (vector<16xi32>, vector<16xf32>, vector<16xi1>) -> (vector<16xi1>, vector<16xi32>, vector<16xf32>)
        %parallel_loop3A_41 = arith.xori %parallel_loop3A_39, %parallel_loop3A_36 : vector<16xi32>
        %parallel_loop3A_42 = arith.constant 16383 : i32
        %parallel_loop3A_43 = vector.broadcast %parallel_loop3A_42 : i32 to vector<16xi32>
        %parallel_loop3A_44 = arith.andi %parallel_loop3A_41, %parallel_loop3A_43 : vector<16xi32>
        %parallel_loop3A_45 = arith.constant 14 : i32
        %parallel_loop3A_46 = vector.broadcast %parallel_loop3A_45 : i32 to vector<16xi32>
        %parallel_loop3A_47 = arith.shrsi %parallel_loop3A_41, %parallel_loop3A_46 : vector<16xi32>
        %parallel_loop3A_48 = arith.constant 0 : i32
        %parallel_loop3A_49 = vector.broadcast %parallel_loop3A_48 : i32 to vector<16xi32>
        %parallel_loop3A_50 = arith.cmpi slt, %min3A_11, %parallel_loop3A_49 : vector<16xi32>
        %parallel_loop3A_51 = arith.constant 16 : i32
        %parallel_loop3A_52 = vector.broadcast %parallel_loop3A_51 : i32 to vector<16xi32>
        %parallel_loop3A_53 = arith.addi %min3A_11, %parallel_loop3A_52 : vector<16xi32>
        %parallel_loop3A_54 = arith.select %parallel_loop3A_50, %parallel_loop3A_53, %min3A_11 : vector<16xi1>, vector<16xi32>
        %parallel_loop3A_55 = vector.shape_cast %parallel_loop3A_54 : vector<16xi32> to vector<16x1xi32>
        %parallel_loop3A_56 = vector.shape_cast %parallel_loop3A_55 : vector<16x1xi32> to vector<16xi32>
        %parallel_loop3A_57 = tpu.dynamic_gather %parallel_loop3A_41[%parallel_loop3A_56] in [0] : vector<16xi32>, vector<16xi32> -> vector<16xi32>
        %parallel_loop3A_58 = arith.constant 14 : i32
        %parallel_loop3A_59 = vector.broadcast %parallel_loop3A_58 : i32 to vector<16xi32>
        %parallel_loop3A_60 = arith.shrsi %parallel_loop3A_57, %parallel_loop3A_59 : vector<16xi32>
        %parallel_loop3A_61 = arith.cmpi ne, %parallel_loop3A_47, %parallel_loop3A_60 : vector<16xi32>
        %parallel_loop3A_62 = arith.ori %parallel_loop3A_61, %eq3A_13 : vector<16xi1>
        %parallel_loop3A_63 = arith.andi %parallel_loop3A_62, %not3A_14 : vector<16xi1>
        %parallel_loop3A_64 = tpu.vector_load_idx %arg7[%parallel_loop3A_44] : memref<16384xf32, #tpu.memory_space<vmem>>[vector<16xi32>], vector<16xf32>,
        %parallel_loop3A_65 = arith.mulf %parallel_loop3A_64, %parallel_loop3A_40 : vector<16xf32>
        %parallel_loop3A_66 = arith.constant true
        %parallel_loop3A_67 = vector.broadcast %parallel_loop3A_66 : i1 to vector<16xi1>
        %parallel_loop3A_68 = tpu.scan <sum>, %parallel_loop3A_65 masked %parallel_loop3A_67 : vector<16xf32>, vector<16xi1> -> vector<16xf32>
        tpu.vector_store_idx %arg9[%parallel_loop3A_47], %parallel_loop3A_68 masked %parallel_loop3A_62 {add = true} : memref<16384xf32, #tpu.memory_space<vmem>>[vector<16xi32>], vector<16xf32>, vector<16xi1>
        %parallel_loop3A_69 = arith.constant 0.000000e+00 : f32
        %parallel_loop3A_70 = vector.broadcast %parallel_loop3A_69 : f32 to vector<16xf32>
        %parallel_loop3A_71 = arith.subf %parallel_loop3A_70, %parallel_loop3A_68 : vector<16xf32>
        tpu.vector_store_idx %arg9[%parallel_loop3A_60], %parallel_loop3A_71 masked %parallel_loop3A_63 {add = true} : memref<16384xf32, #tpu.memory_space<vmem>>[vector<16xi32>], vector<16xf32>, vector<16xi1>
        %parallel_loop3A_72 = tpu.vector_load_idx %arg8[%parallel_loop3A_44] : memref<16384xf32, #tpu.memory_space<vmem>>[vector<16xi32>], vector<16xf32>,
        %parallel_loop3A_73 = arith.mulf %parallel_loop3A_72, %parallel_loop3A_40 : vector<16xf32>
        %parallel_loop3A_74 = arith.constant true
        %parallel_loop3A_75 = vector.broadcast %parallel_loop3A_74 : i1 to vector<16xi1>
        %parallel_loop3A_76 = tpu.scan <sum>, %parallel_loop3A_73 masked %parallel_loop3A_75 : vector<16xf32>, vector<16xi1> -> vector<16xf32>
        tpu.vector_store_idx %arg10[%parallel_loop3A_47], %parallel_loop3A_76 masked %parallel_loop3A_62 {add = true} : memref<16384xf32, #tpu.memory_space<vmem>>[vector<16xi32>], vector<16xf32>, vector<16xi1>
        %parallel_loop3A_77 = arith.constant 0.000000e+00 : f32
        %parallel_loop3A_78 = vector.broadcast %parallel_loop3A_77 : f32 to vector<16xf32>
        %parallel_loop3A_79 = arith.subf %parallel_loop3A_78, %parallel_loop3A_76 : vector<16xf32>
        tpu.vector_store_idx %arg10[%parallel_loop3A_60], %parallel_loop3A_79 masked %parallel_loop3A_63 {add = true} : memref<16384xf32, #tpu.memory_space<vmem>>[vector<16xi32>], vector<16xf32>, vector<16xi1>
      } {sc.loop_unroll_factor = 8 : i64, sc.parallel_access}
    }
    %scan3A_19 = arith.constant 33 : i32
    %add3A_20 = arith.constant 0 : i32
    %add3A_21 = arith.addi %mul3A_2, %add3A_20 : i32
    "tpu.region"() ({
      %run_scoped3A = tpu.sem_alloc : memref<!tpu.dma_semaphore, #tpu.memory_space<semaphore_mem>>
      %dma_start3A = arith.constant 0 : i32
      %dma_start3A_24 = tpu.memref_slice %arg6[%add3A_21, %dma_start3A] : memref<64x16384xf32, #tpu.memory_space<hbm>> -> memref<1x16384xf32, #tpu.memory_space<hbm>>
      %dma_start3A_25 = tpu.memref_squeeze %dma_start3A_24 : memref<1x16384xf32, #tpu.memory_space<hbm>> -> memref<16384xf32, #tpu.memory_space<hbm>>
      %dma_start3A_26 = arith.constant 0 : i32
      %dma_start3A_27 = tpu.memref_slice %arg6[%add3A_21, %dma_start3A_26] : memref<64x16384xf32, #tpu.memory_space<hbm>> -> memref<1x16384xf32, #tpu.memory_space<hbm>>
      %dma_start3A_28 = tpu.memref_squeeze %dma_start3A_27 : memref<1x16384xf32, #tpu.memory_space<hbm>> -> memref<16384xf32, #tpu.memory_space<hbm>>
      tpu.enqueue_dma source(%arg9 : memref<16384xf32, #tpu.memory_space<vmem>>) target(%dma_start3A_28 : memref<16384xf32, #tpu.memory_space<hbm>>) target_semaphore(%run_scoped3A : memref<!tpu.dma_semaphore, #tpu.memory_space<semaphore_mem>>)
      %dma_wait3A = arith.constant 0 : i32
      %dma_wait3A_29 = tpu.memref_slice %arg6[%add3A_21, %dma_wait3A] : memref<64x16384xf32, #tpu.memory_space<hbm>> -> memref<1x16384xf32, #tpu.memory_space<hbm>>
      %dma_wait3A_30 = tpu.memref_squeeze %dma_wait3A_29 : memref<1x16384xf32, #tpu.memory_space<hbm>> -> memref<16384xf32, #tpu.memory_space<hbm>>
      %dma_wait3A_31 = arith.constant 0 : i32
      %dma_wait3A_32 = tpu.memref_slice %arg6[%add3A_21, %dma_wait3A_31] : memref<64x16384xf32, #tpu.memory_space<hbm>> -> memref<1x16384xf32, #tpu.memory_space<hbm>>
      %dma_wait3A_33 = tpu.memref_squeeze %dma_wait3A_32 : memref<1x16384xf32, #tpu.memory_space<hbm>> -> memref<16384xf32, #tpu.memory_space<hbm>>
      tpu.wait_dma2 semaphore(%run_scoped3A : memref<!tpu.dma_semaphore, #tpu.memory_space<semaphore_mem>>) src(%arg9 : memref<16384xf32, #tpu.memory_space<vmem>>) dst(%dma_wait3A_33 : memref<16384xf32, #tpu.memory_space<hbm>>)
      tpu.yield
    }) : () -> ()
    %add3A_22 = arith.constant 1 : i32
    %add3A_23 = arith.addi %mul3A_2, %add3A_22 : i32
    "tpu.region"() ({
      %run_scoped3A = tpu.sem_alloc : memref<!tpu.dma_semaphore, #tpu.memory_space<semaphore_mem>>
      %dma_start3A = arith.constant 0 : i32
      %dma_start3A_24 = tpu.memref_slice %arg6[%add3A_23, %dma_start3A] : memref<64x16384xf32, #tpu.memory_space<hbm>> -> memref<1x16384xf32, #tpu.memory_space<hbm>>
      %dma_start3A_25 = tpu.memref_squeeze %dma_start3A_24 : memref<1x16384xf32, #tpu.memory_space<hbm>> -> memref<16384xf32, #tpu.memory_space<hbm>>
      %dma_start3A_26 = arith.constant 0 : i32
      %dma_start3A_27 = tpu.memref_slice %arg6[%add3A_23, %dma_start3A_26] : memref<64x16384xf32, #tpu.memory_space<hbm>> -> memref<1x16384xf32, #tpu.memory_space<hbm>>
      %dma_start3A_28 = tpu.memref_squeeze %dma_start3A_27 : memref<1x16384xf32, #tpu.memory_space<hbm>> -> memref<16384xf32, #tpu.memory_space<hbm>>
      tpu.enqueue_dma source(%arg10 : memref<16384xf32, #tpu.memory_space<vmem>>) target(%dma_start3A_28 : memref<16384xf32, #tpu.memory_space<hbm>>) target_semaphore(%run_scoped3A : memref<!tpu.dma_semaphore, #tpu.memory_space<semaphore_mem>>)
      %dma_wait3A = arith.constant 0 : i32
      %dma_wait3A_29 = tpu.memref_slice %arg6[%add3A_23, %dma_wait3A] : memref<64x16384xf32, #tpu.memory_space<hbm>> -> memref<1x16384xf32, #tpu.memory_space<hbm>>
      %dma_wait3A_30 = tpu.memref_squeeze %dma_wait3A_29 : memref<1x16384xf32, #tpu.memory_space<hbm>> -> memref<16384xf32, #tpu.memory_space<hbm>>
      %dma_wait3A_31 = arith.constant 0 : i32
      %dma_wait3A_32 = tpu.memref_slice %arg6[%add3A_23, %dma_wait3A_31] : memref<64x16384xf32, #tpu.memory_space<hbm>> -> memref<1x16384xf32, #tpu.memory_space<hbm>>
      %dma_wait3A_33 = tpu.memref_squeeze %dma_wait3A_32 : memref<1x16384xf32, #tpu.memory_space<hbm>> -> memref<16384xf32, #tpu.memory_space<hbm>>
      tpu.wait_dma2 semaphore(%run_scoped3A : memref<!tpu.dma_semaphore, #tpu.memory_space<semaphore_mem>>) src(%arg10 : memref<16384xf32, #tpu.memory_space<vmem>>) dst(%dma_wait3A_33 : memref<16384xf32, #tpu.memory_space<hbm>>)
      tpu.yield
    }) : () -> ()
    return
  }
}

</mosaic_0001>

<sc_bundles>
// kernel: kernel.3.cloned.1.call-start
scs
__scs_entry_jumppad:
0x0: {  	(pc) =	sbr.rel $0x88, $3  }
0x1: {  	(tag) =	ssettag $0x0;
	lr =	simm.s32 $0x1  }
0x2: {  	[smem:$0x3F9C] =	sst lr;
	_ =	strace $0xD0000000  }
0x3: {  	_ = 	snop  }
0x4: {  	_ = 	snop  }
0x5: {  	_ = 	snop  }
0x6: {  	_ = 	snop  }
0x7: {  	_ = 	snop  }
__scs_overlays_trampoline_lowered:
0x8: {  	[smem:$0x3FAB] =	sst s0  }
0x9: {  	[smem:$0x3FAC] =	sst s1  }
0xa: {  	[smem:$0x3FAD] =	sst s2  }
0xb: {  	[smem:$0x3FAE] =	sst s3  }
0xc: {  	[smem:$0x3FAF] =	sst s4  }
0xd: {  	[smem:$0x3FB0] =	sst s5  }
0xe: {  	[smem:$0x3FB1] =	sst s6  }
0xf: {  	[smem:$0x3FB2] =	sst s7  }
0x10: {  	[smem:$0x3FB3] =	sst s8  }
0x11: {  	[smem:$0x3FB4] =	sst s9;
	s0 =	simm.s32 @!p0 $0x0  }
0x12: {  	s1 =	sld [smem:$0x3F9A];
	s0 =	simm.s32 @p0 $0x1  }
0x13: {  	[smem:$0x3FB5] =	sst s0;
	s0 =	simm.s32 @!p1 $0x0  }
0x14: {  	s2 =	sld [smem:$0x3F99];
	s0 =	simm.s32 @p1 $0x1  }
0x15: {  	[smem:$0x3FB6] =	sst s0;
	s0 =	simm.s32 @!p2 $0x0  }
0x16: {  	s3 =	sld [smem:$0x3FDB];
	s0 =	simm.s32 @p2 $0x1  }
0x17: {  	s4 =	simm.s32 $0x1BF5;
	[smem:$0x3FB8] =	sst s0  }
0x18: {  	s0 =	sld [smem:$0x3F9B];
	_ =	swait.ge [sflag:s4], $0x0  }
0x19: {  	s7 =	sld [smem:$0x3F9C]  }
0x1a: {  	s8 =	sadd.s32 $0xFFFFE003, lr  }
0x1b: {  	s9 =	sadd.s32 $0xFFFFFEF7, lr;
	s5 =	simm.s32 $0xFFFFFFFF;
	p2 =	slt.u32 s8, $0xFFFFF086  }
0x1c: {  	p1 =	slt.u32 s9, $0xF7A;
	s5 =	simm.s32 @!p2 $0x0  }
0x1d: {  	s5 =	simm.s32 @p1 $0x1;
	p0 =	seq.s32 s7, s2  }
0x1e: {  	s7 =	smul.u32 @!p0 $0xF7A, s2;
	p2 =	seq.s32 @!p0 s5, $0x0  }
0x1f: {  	s9 =	smul.u32 $0xF7A, s1;
	s8 =	simm.s32 @!p0 $0x1BF5;
	p2 =	por !p2, p0  }
0x20: {  	[sflag:s8] =	ssyncset.s32 @!p0 $0xFFFFF086;
	s6 =	sadd.s32 @!p0 s3, s7;
	s7 =	simm.s32 @!p0 $0x108  }
0x21: {  	s3 =	sadd.s32 s3, s9;
	s6 =	sadd.s32 @!p0 $0x88, s6;
	s7 =	simm.s32 @p2 $0x1082  }
0x22: {  	[simem:s7], [sflag:s8] =	dma.local @!p0 [hbm:s6], $0xF7A  }
0x23: {  	s9 =	sor.u32 $0xD0000000, s2;
	s6 =	simm.s32 $0x108;
	_ =	swait.ge @!p0 [sflag:s8], $0x0  }
0x24: {  	s3 =	sadd.s32 $0x88, s3;
	s6 =	simm.s32 @!p1 $0x1082;
	[sflag:s4] =	ssyncset.s32 $0xFFFFF086  }
0x25: {  	[simem:s6], [sflag:s4] =	dma.local [hbm:s3], $0xF7A  }
0x26: {  	[smem:$0x3F9C] =	sst s1;
	(tag) =	ssettag s2;
	_ =	strace s9  }
0x27: {  	s1 =	sld [smem:$0x3FAC]  }
0x28: {  	s2 =	sld [smem:$0x3FAD]  }
0x29: {  	s4 =	sld [smem:$0x3FAF]  }
0x2a: {  	p0 =	seq.s32 s5, $0x0;
	s5 =	sld [smem:$0x3FB0]  }
0x2b: {  	s6 =	sld [smem:$0x3FB1]  }
0x2c: {  	s7 =	sld [smem:$0x3FB2]  }
0x2d: {  	s3 =	simm.s32 $0x108;
	s8 =	sld [smem:$0x3FB3]  }
0x2e: {  	s3 =	simm.s32 @!p0 $0x1082;
	s9 =	sld [smem:$0x3FB4]  }
0x2f: {  	lr =	sadd.s32 s0, s3;
	s0 =	sld [smem:$0x3FAB]  }
0x30: {  	s3 =	sld [smem:$0x3FAE]  }
0x31: {  	[smem:$0x3FB7] =	sst s10  }
0x32: {  	s10 =	sld [smem:$0x3FB5];
	_ =	sdelay $0x3  }
0x33: {  	p0 =	seq.s32 s10, $0x1;
	s10 =	sld [smem:$0x3FB7];
	_ =	sdelay $0x3  }
0x34: {  	[smem:$0x3FB7] =	sst s10  }
0x35: {  	s10 =	sld [smem:$0x3FB6];
	_ =	sdelay $0x3  }
0x36: {  	p1 =	seq.s32 s10, $0x1;
	s10 =	sld [smem:$0x3FB7];
	_ =	sdelay $0x3  }
0x37: {  	[smem:$0x3FB7] =	sst s10  }
0x38: {  	s10 =	sld [smem:$0x3FB8]  }
0x39: {  	_ = 	snop;
	(pc) =	sbr.ind lr, $3  }
0x3a: {  	_ = 	snop  }
0x3b: {  	_ = 	snop  }
0x3c: {  	p2 =	seq.s32 s10, $0x1;
	s10 =	sld [smem:$0x3FB7]  }
0x3d: {  	_ =	shalt  }
0x3e: {  	_ =	shalt  }
0x3f: {  	_ =	shalt  }
0x40: {  	_ =	shalt  }
0x41: {  	_ =	shalt  }
0x42: {  	_ =	shalt  }
0x43: {  	_ =	shalt  }
0x44: {  	_ =	shalt  }
0x45: {  	_ =	shalt  }
0x46: {  	_ =	shalt  }
0x47: {  	_ =	shalt  }
0x48: {  	_ =	shalt  }
0x49: {  	_ =	shalt  }
0x4a: {  	_ =	shalt  }
0x4b: {  	_ =	shalt  }
0x4c: {  	_ =	shalt  }
0x4d: {  	_ =	shalt  }
0x4e: {  	_ =	shalt  }
0x4f: {  	_ =	shalt  }
0x50: {  	_ =	shalt  }
0x51: {  	_ =	shalt  }
0x52: {  	_ =	shalt  }
0x53: {  	_ =	shalt  }
0x54: {  	_ =	shalt  }
0x55: {  	_ =	shalt  }
0x56: {  	_ =	shalt  }
0x57: {  	_ =	shalt  }
0x58: {  	_ =	shalt  }
0x59: {  	_ =	shalt  }
0x5a: {  	_ =	shalt  }
0x5b: {  	_ =	shalt  }
0x5c: {  	_ =	shalt  }
0x5d: {  	_ =	shalt  }
0x5e: {  	_ =	shalt  }
0x5f: {  	_ =	shalt  }
0x60: {  	_ =	shalt  }
0x61: {  	_ =	shalt  }
0x62: {  	_ =	shalt  }
0x63: {  	_ =	shalt  }
0x64: {  	_ =	shalt  }
0x65: {  	_ =	shalt  }
0x66: {  	_ =	shalt  }
0x67: {  	_ =	shalt  }
0x68: {  	_ =	shalt  }
0x69: {  	_ =	shalt  }
0x6a: {  	_ =	shalt  }
0x6b: {  	_ =	shalt  }
0x6c: {  	_ =	shalt  }
0x6d: {  	_ =	shalt  }
0x6e: {  	_ =	shalt  }
0x6f: {  	_ =	shalt  }
0x70: {  	_ =	shalt  }
0x71: {  	_ =	shalt  }
0x72: {  	_ =	shalt  }
0x73: {  	_ =	shalt  }
0x74: {  	_ =	shalt  }
0x75: {  	_ =	shalt  }
0x76: {  	_ =	shalt  }
0x77: {  	_ =	shalt  }
0x78: {  	_ =	shalt  }
0x79: {  	_ =	shalt  }
0x7a: {  	_ =	shalt  }
0x7b: {  	_ =	shalt  }
0x7c: {  	_ =	shalt  }
0x7d: {  	_ =	shalt  }
0x7e: {  	_ =	shalt  }
0x7f: {  	_ =	shalt  }
0x80: {  	_ =	shalt  }
0x81: {  	_ =	shalt  }
0x82: {  	_ =	shalt  }
0x83: {  	_ =	shalt  }
0x84: {  	_ =	shalt  }
0x85: {  	_ =	shalt  }
0x86: {  	_ =	shalt  }
0x87: {  	_ =	shalt  }
.Lfunc_end0:
.L_simem_size_0:
called_computation_lowered:
.L_overlay_start_0:
0x88: {  	s2 =	sld [smem:$0x3FD9]  }
0x89: {  	s3 =	sld [smem:$0x3FFE];
	_ =	sdelay $0x1  }
0x8a: {  	s1 =	srdreg.scid  }
0x8b: {  	s0 =	sand.u32 $0x1, s1  }
0x8c: {  	s17 =	sshll.u32 s0, $0xA;
	s2 =	sadd.s32 s3, s2  }
0x8d: {  	s2 =	sadd.s32 s2, s17  }
0x8e: {  	[smem:$0x3FC3] =	sst s2  }
0x8f: {  	_ = 	snop  }
0x90: {  	s2 =	sld [smem:$0x3FC9]  }
0x91: {  	s18 =	sld [smem:$0x3FC7]  }
0x92: {  	s4 =	sld [smem:$0x3FD0];
	(tm) =	ssettm $0x1  }
0x93: {  	s5 =	sld [smem:$0x3FFB];
	_ =	sdelay $0x3  }
0x94: {  	_ =	strace s5  }
0x95: {  	s5 =	sld [smem:$0x3FFC];
	_ =	sdelay $0x3  }
0x96: {  	_ =	strace s5  }
0x97: {  	s5 =	sld [smem:$0x3FFD];
	_ =	sdelay $0x3  }
0x98: {  	_ =	strace s5  }
0x99: {  	_ =	strace $0x8FFFFFFF  }
0x9a: {  	s19 =	sld [smem:$0x3FDB];
	_ =	sdelay $0x1  }
0x9b: {  	s6 =	simm.s32 $_scs_section_size  }
0x9c: {  	s7 =	simm.s32 $_size__tile_overlayer_lowered;
	s8 =	simm.s32 $_tile_overlayer_lowered  }
0x9d: {  	s22 =	simm.s32 $0x1BFF;
	s21 =	sshll.u32 s8, $0x1;
	s5 =	sadd.s32 s6, s19  }
0x9e: {  	s9 =	simm.s32 $0x0;
	s20 =	sshll.u32 s7, $0x1;
	s7 =	sadd.s32 s21, s5  }
0x9f: {  	[timem:s9], [sflag:s22] =	dma.local [hbm:s7], s20  }
0xa0: {  	_ =	swait.ge [sflag:s22], s20  }
0xa1: {  	s6 =	ssub.s32 $0x0, s20;
	[sflag:s22] =	ssyncset.done $0x0  }
0xa2: {  	[sflag:s22] =	ssyncadd.s32 s6;
	_ =	sdelay $0x1  }
0xa3: {  	s23 =	simm.s32 $0x1B8B  }
0xa4: {  	_ =	swait.ge [sflag:s23], $0x1  }
0xa5: {  	[sflag:s23] =	ssyncset.done $0x0  }
0xa6: {  	s25 =	simm.s32 $0x1B8E;
	s24 =	sld [smem:$0x3FFE];
	[sflag:s23] =	ssyncadd.s32 $0xFFFFFFFF  }
0xa7: {  	s26 =	simm.s32 $execute0_lowered;
	[smem:$0x3FD2] =	sst s25  }
0xa8: {  	s7 =	sshll.u32 s26, $0x1;
	_ =	strace $0x80000046;
	[dreg:$0x1] =	wrdreg $0xFFFFFFFF  }
0xa9: {  	s28 =	simm.s32 $_size_execute0_lowered;
	s5 =	sadd.s32 s5, s7;
	[dreg:$0x0] =	wrdreg $0x0  }
0xaa: {  	s7 =	sshll.u32 s28, $0x1;
	[dreg:$0x2] =	wrdreg s5  }
0xab: {  	[dreg:$0x3] =	wrdreg s7  }
0xac: {  	[dreg:$0x4] =	wrdreg $0xC0  }
0xad: {  	_ =	task [dreg:s9], $0x5FFFF  }
0xae: {  	[dreg:$0x1] =	wrdreg $0xFFFFFFFF  }
0xaf: {  	[dreg:$0x0] =	wrdreg $0x60  }
0xb0: {  	[dreg:$0x2] =	wrdreg s2  }
0xb1: {  	[dreg:$0x3] =	wrdreg s24  }
0xb2: {  	[dreg:$0x4] =	wrdreg s18  }
0xb3: {  	[dreg:$0x5] =	wrdreg s4  }
0xb4: {  	[dreg:$0x6] =	wrdreg $0x9  }
0xb5: {  	_ =	task.clear_ibuf [dreg:s9], $0x7FFFF;
	_ =	strace $0x90000046  }
0xb6: {  	s29 =	simm.s32 $0x9;
	_ =	strace $0x80000048  }
0xb7: {  	_ =	swait.ge [sflag:s29], $0x1  }
0xb8: {  	[sflag:s29] =	ssyncadd.s32 $0xFFFFFFFF  }
0xb9: {  	_ =	strace $0x90000048  }
0xba: {  	_ =	sfence  }
0xbb: {  	s30 =	sld [smem:$0x0];
	_ =	sdelay $0x2  }
0xbc: {  	s31 =	sshll.u32 s1, $0xD;
	s1 =	sshrl.u32 s1, $0x2  }
0xbd: {  	s3 =	sand.u32 $0x4000, s31;
	s1 =	sadd.s32 s1, s30  }
0xbe: {  	s0 =	sor.u32 s3, s0;
	s1 =	sshll.u32 s1, $0x11  }
0xbf: {  	s0 =	sor.u32 s1, s0  }
0xc0: {  	s0 =	sadd.s32 $0x8F2B, s0  }
0xc1: {  	[sflag:s0] =	ssyncadd.remote.s32 $0x1  }
0xc2: {  	_ =	sfence.sel $0xFFFF  }
0xc3: {  	[dreg:$0x0] =	wrdreg $0xFFFFFFFF;
	(pc) =	sbr.abs _section_cstart, $3  }
0xc4: {  	[dreg:$0x1] =	wrdreg $0xFFFFFFFF  }
0xc5: {  	_ =	task.clear_ibuf [dreg:s9], $0x2FFFF;
	_ =	strace $0x9FFFFFFF  }
0xc6: {  	(tm) =	ssettm $0x7FFFFFFF  }
0xc7: {  	_ =	shalt  }
tec
execute0_lowered:
.L_overlay_start_1:
0x0: {  	(tag) =	ssettag $0x1  }
0x1: {  	s7 =	rddreg [dreg:$0x0]  }
0x2: {  	s5 =	rddreg [dreg:$0x1]  }
0x3: {  	s1 =	rddreg [dreg:$0x2]  }
0x4: {  	s9 =	rddreg [dreg:$0x3]  }
0x5: {  	s0 =	rddreg [dreg:$0x4]  }
0x6: {  	s3 =	simm.s32 $0x0;
	s4 =	srdreg.scid;
	s2 =	stileid.u32  }
0x7: {  	s12 =	simm.s32 $0x400;
	s13 =	simm.s32 $0x1;
	s14 =	simm.s32 $0x8000  }
0x8: {  	s15 =	simm.s32 $0x4000;
	s16 =	simm.s32 $0xC000;
	s17 =	simm.s32 $0x10000  }
0x9: {  	v0 =	vimm.s32 $0xFFEDCBA9;
	v1 =	vimm.s32 $0x87654321;
	s18 =	simm.s32 $0x12000;
	s19 =	simm.s32 $0x0;
	[smem:$0x7FF] =	sst s3  }
0xa: {  	s6 =	sand.u32 $0x1, s4;
	s30 =	sshll.u32 s2, $0x6;
	s10 =	sshll.u32 s2, $0xD;
	v0 =	vunpack.c.l.s4.s8 v0;
	v1 =	vunpack.c.l.s4.s8 v1  }
0xb: {  	_ =	strace $0x80000047;
	s8 =	sshll.u32 s6, $0x5;
	s4 =	sand.u32 $0x40, s30  }
0xc: {  	s10 =	sand.u32 $0x1C000, s10;
	s6 =	ssub.s32 $0x2, s6;
	s8 =	sor.u32 s8, s4;
	v0 =	vunpack.c.0.s8.s32 v0;
	v1 =	vunpack.c.0.s8.s32 v1  }
0xd: {  	s4 =	sadd.s32 $0x8A00, s5;
	s31 =	sshrl.u32 s6, $0x1;
	s8 =	sor.u32 s10, s8  }
0xe: {  	vm4 =	vmmov $0x7fff;
	s5 =	sadd.s32 $0x600, s5;
	s10 =	ssub.s32 s6, s31;
	s11 =	sor.u32 $0x10, s8;
	v0 =	vcombine.low v1, v0;
	v1 =	vimm.s32 $0x0  }
0xf: {  	s6 =	sadd.s32 s7, s8;
	s8 =	sadd.s32 s9, s8;
	s10 =	smax.u32 s10, $0x1;
	v1 =	vsel vm4, $0xFFFFFFFF, v1  }
0x10: {  	vm1 =	vcmask $0x3F3C;
	s7 =	sadd.s32 s7, s11;
	s9 =	sadd.s32 s9, s11;
	s11 =	simm.s32 $0x80;
	v0 =	vand.u32 $0xF, v0;
	[tilespmem:$0x1FFF0] =	vst v1  }
.LBB2_1:
0x11: {  	[tilespmem:s3], [sflag:$0x1] =	stream.strided.gather [hbm4b:s6+s11], $0x4000, s12, s11, $0x38;
	[tilespmem:$0x14000] =	vst v63  }
0x12: {  	_ =	swait.ge [sflag:s13], $0x4000  }
0x13: {  	[sflag:s13] =	ssyncset.done $0x0  }
0x14: {  	[sflag:s13] =	ssyncadd.s32 $0xFFFFC000  }
0x15: {  	[tilespmem:s14], [sflag:$0x1] =	stream.linear.gather [hbm4b:s1+s3], $0x4000, $0x38;
	[tilespmem:$0x14000] =	vst v63  }
0x16: {  	_ =	swait.ge [sflag:s13], $0x4000  }
0x17: {  	[sflag:s13] =	ssyncset.done $0x0  }
0x18: {  	[sflag:s13] =	ssyncadd.s32 $0xFFFFC000  }
0x19: {  	[tilespmem:s15], [sflag:$0x1] =	stream.strided.gather [hbm4b:s7+s11], $0x4000, s12, s11, $0x38;
	[tilespmem:$0x14000] =	vst v63  }
0x1a: {  	_ =	swait.ge [sflag:s13], $0x4000  }
0x1b: {  	[sflag:s13] =	ssyncset.done $0x0  }
0x1c: {  	[sflag:s13] =	ssyncadd.s32 $0xFFFFC000  }
0x1d: {  	[tilespmem:s16], [sflag:$0x1] =	stream.linear.gather [hbm4b:s1+s3], $0x4000, $0x38;
	[tilespmem:$0x14000] =	vst v63  }
0x1e: {  	_ =	swait.ge [sflag:s13], $0x4000  }
0x1f: {  	[sflag:s13] =	ssyncset.done $0x0  }
0x20: {  	s20 =	simm.s32 $0x0;
	[sflag:s13] =	ssyncadd.s32 $0xFFFFC000  }
.LBB2_2:
0x21: {  	s21 =	sshll.u32 s20, $0xA  }
0x22: {  	s22 =	sadd.s32 s5, s21  }
0x23: {  	[tilespmem:s17], [sflag:$0x1] =	stream.linear.gather [hbm4b:s22+s3], $0x2000, $0x38;
	[tilespmem:$0x14000] =	vst v63  }
0x24: {  	_ =	swait.ge [sflag:s13], $0x2000  }
0x25: {  	[sflag:s13] =	ssyncset.done $0x0  }
0x26: {  	s21 =	sadd.s32 s4, s21;
	[sflag:s13] =	ssyncadd.s32 $0xFFFFE000  }
0x27: {  	[tilespmem:s18], [sflag:$0x1] =	stream.linear.gather [hbm4b:s21+s3], $0x2000, $0x38;
	[tilespmem:$0x14000] =	vst v63  }
0x28: {  	_ =	swait.ge [sflag:s13], $0x2000  }
0x29: {  	[sflag:s13] =	ssyncset.done $0x0  }
0x2a: {  	s30 =	simm.s32 $0x12040;
	[sflag:s13] =	ssyncadd.s32 $0xFFFFE000  }
0x2b: {  	v1 =	vld [tilespmem:s30+$0x30]  }
0x2c: {  	s31 =	simm.s32 $0x10040;
	v2 =	vld [tilespmem:s30+$0xFFFFFFC0]  }
0x2d: {  	v3 =	vld [tilespmem:s31+$0xFFFFFFC0]  }
0x2e: {  	v4 =	vld [tilespmem:s31+$0x30]  }
0x2f: {  	v5 =	vld [tilespmem:s31+$0x10]  }
0x30: {  	v6 =	vld [tilespmem:s31+$0x0]  }
0x31: {  	v7 =	vld [tilespmem:s30+$0x0]  }
0x32: {  	v8 =	vld [tilespmem:s30+$0x10];
	v3 =	vxor.u32 $0x80000000, v3  }
0x33: {  	(xrf1) =	vsort.ascd.msk.u32 $0xffff, v3, v2  }
0x34: {  	v4 =	vxor.u32 $0x80000000, v4  }
0x35: {  	(xrf1) =	vsort.ascd.msk.u32 $0xffff, v4, v1;
	v1 =	vxor.u32 $0x80000000, v6  }
0x36: {  	v2 =	vxor.u32 $0x80000000, v5;
	(xrf1) =	vsort.ascd.msk.u32 $0xffff, v1, v7;
	v1 =	vld [tilespmem:s31+$0x20]  }
0x37: {  	(xrf1) =	vsort.ascd.msk.u32 $0xffff, v2, v8;
	v2 =	vld [tilespmem:s30+$0x20]  }
0x38: {  	v3 =	vld [tilespmem:s30+$0xFFFFFFF0]  }
0x39: {  	v5 =	vld [tilespmem:s31+$0xFFFFFFD0]  }
0x3a: {  	v4 =	vld [tilespmem:s31+$0xFFFFFFF0]  }
0x3b: {  	v6 =	vld [tilespmem:s30+$0xFFFFFFD0];
	v1 =	vxor.u32 $0x80000000, v1  }
0x3c: {  	(xrf1) =	vsort.ascd.msk.u32 $0xffff, v1, v2;
	v1 =	vld [tilespmem:s31+$0xFFFFFFE0];
	_ =	sdelay $0x2  }
0x3d: {  	v4 =	vxor.u32 $0x80000000, v4;
	v2 =	vld [tilespmem:s30+$0xFFFFFFE0]  }
0x3e: {  	v5 =	vxor.u32 $0x80000000, v5;
	(xrf1) =	vsort.ascd.msk.u32 $0xffff, v4, v3  }
0x3f: {  	v1 =	vxor.u32 $0x80000000, v1;
	v3, v9, _ =	vpop (xrf1);
	(xrf1) =	vsort.ascd.msk.u32 $0xffff, v5, v6;
	_ =	sdelay $0x1  }
0x40: {  	v4, v10, _ =	vpop (xrf1)  }
0x41: {  	(xrf1) =	vsort.ascd.msk.u32 $0xffff, v1, v2;
	v29 =	vand.u32 $0x3FFF, v4;
	v1, v5, _ =	vpop (xrf1)  }
0x42: {  	v2, v16, _ =	vpop (xrf1)  }
0x43: {  	v17 =	vand.u32 $0x3FFF, v2;
	_ =	sdelay $0x2  }
0x44: {  	s22 =	simm.s32 $0x100C0;
	v6 =	vld.idx.msk [tilespmem:v29+s3+$0x0], $0xffff  }
0x45: {  	v36 =	vld [tilespmem:s22+$0xFFFFFFC0];
	v7, v34, _ =	vpop (xrf1)  }
0x46: {  	v8 =	vld.idx.msk [tilespmem:v17+s3+$0x0], $0xffff;
	v33 =	vand.u32 $0x3FFF, v7;
	_ =	sdelay $0x1  }
0x47: {  	s21 =	simm.s32 $0x120C0;
	v12 =	vand.u32 $0x3FFF, v1  }
0x48: {  	v15 =	vld [tilespmem:s21+$0xFFFFFFE0];
	v18, v14, _ =	vpop (xrf1);
	v6 =	vmul.f32 v10, v6  }
0x49: {  	vm5 =	vmmov vm1;
	v20 =	vld [tilespmem:s21+$0xFFFFFFD0];
	v36 =	vxor.u32 $0x80000000, v36;
	v23, v21, _ =	vpop (xrf1)  }
0x4a: {  	v2 =	vxor.u32 $0x80000000, v2;
	(xrf2) =	vadd.scan.msk.f32 $0xffff, v6;
	v6 =	vmul.f32 v16, v8;
	v24 =	vld.idx.msk [tilespmem:v33+s3+$0x0], $0xffff;
	v26 =	vand.u32 $0x3FFF, v23  }
0x4b: {  	v27 =	vld [tilespmem:s21+$0x30];
	v11 =	vand.u32 $0x3FFF, v3;
	v4 =	vxor.u32 $0x80000000, v4;
	v25 =	vperm.xlane v2, v0  }
0x4c: {  	v22 =	vperm.xlane v4, v0;
	v1 =	vxor.u32 $0x80000000, v1;
	v28 =	vld.idx.msk [tilespmem:v12+s3+$0x0], $0xffff;
	v38 =	vand.u32 $0x3FFF, v18;
	(xrf2) =	vadd.scan.msk.f32 $0xffff, v6  }
0x4d: {  	v62 =	vld [tilespmem:s22+$0x30];
	v32 =	vshra.s32 v2, $0xE;
	v2 =	vshra.s32 v1, $0xE;
	v25 =	vshra.s32 v25, $0xE  }
0x4e: {  	vm2 =	vne.s32 v32, v25;
	v7 =	vxor.u32 $0x80000000, v7;
	v8 =	vshra.s32 v4, $0xE;
	v4 =	vld [tilespmem:s21+$0xFFFFFFC0]  }
0x4f: {  	vm14 =	vmor vm2, vm1;
	vm8 =	vmand vm2, vm4;
	v24 =	vmul.f32 v34, v24;
	v40 =	vld.idx.msk [tilespmem:v26+s3+$0x0], $0xffff  }
0x50: {  	v19 =	vld.idx.msk [tilespmem:v11+s3+$0x0], $0xffff;
	v37 =	vperm.xlane v7, v0;
	v41 =	vxor.u32 $0x80000000, v18;
	v6 =	vshra.s32 v22, $0xE  }
0x51: {  	v28 =	vmul.f32 v5, v28;
	v30, v13, _ =	vpop (xrf1);
	v39 =	vld.idx.msk [tilespmem:v38+s3+$0x0], $0xffff;
	v42 =	vxor.u32 $0x80000000, v23;
	vm0 =	vne.s32 v8, v6;
	(xrf2) =	vadd.scan.msk.f32 $0xffff, v24  }
0x52: {  	v31 =	vld [tilespmem:s21+$0xFFFFFFF0];
	v22 =	vand.u32 $0x3FFF, v30;
	vm10 =	vmor vm0, vm1;
	v24 =	vperm.xlane v1, v0  }
0x53: {  	v35 =	vld [tilespmem:s21+$0x20];
	v23 =	vshra.s32 v37, $0xE;
	v18 =	vperm.xlane v42, v0;
	(xrf1) =	vsort.ascd.msk.u32 $0xffff, v36, v4;
	v4 =	vxor.u32 $0x80000000, v62  }
0x54: {  	v63 =	vld [tilespmem:s22+$0x20];
	vm0 =	vmand vm0, vm4;
	(xrf1) =	vsort.ascd.msk.u32 $0xffff, v4, v27;
	v1 =	vshra.s32 v24, $0xE;
	v24 =	vmul.f32 v21, v40  }
0x55: {  	v46 =	vld [tilespmem:s22+$0x10];
	v18 =	vshra.s32 v18, $0xE;
	vm1 =	vmmov vm0;
	v44, _, _ =	vpop (xrf2);
	(xrf2) =	vadd.scan.msk.f32 $0xffff, v28;
	v28 =	vshra.s32 v7, $0xE  }
0x56: {  	v49 =	vld [tilespmem:s21+$0x10];
	v39 =	vmul.f32 v14, v39;
	v4 =	vmul.f32 v9, v19;
	vm6 =	vne.s32 v28, v23;
	v7, _, _ =	vpop (xrf2);
	(xrf2) =	vadd.scan.msk.f32 $0xffff, v24  }
0x57: {  	v19 =	vimm.s32 $0x0;
	v43 =	vld.idx.msk [tilespmem:v22+s3+$0x0], $0xffff;
	vm0 =	vne.s32 v2, v1;
	vm2 =	vmor vm6, vm5  }
0x58: {  	[tilespmem:v8+s14+$0x0] =	vst.idx.add.f32.msk vm10, v44;
	vm3 =	vmor vm0, vm5;
	vm15 =	vmand vm6, vm4;
	v45 =	vsub.f32 $0.0e+00, v7  }
0x59: {  	v19 =	vsel vm1, $0xFFFFFFFF, v19;
	vm7 =	vmmov vm3;
	[tilespmem:v32+s14+$0x0] =	vst.idx.add.f32.msk vm14, v7;
	v24 =	vshra.s32 v42, $0xE  }
0x5a: {  	v7 =	vsub.f32 $0.0e+00, v44;
	(xrf2) =	vadd.scan.msk.f32 $0xffff, v39;
	vm3 =	vne.s32 v24, v18;
	[tilespmem:v25+s14+$0x0] =	vst.idx.add.f32.msk vm8, v45  }
0x5b: {  	v3 =	vxor.u32 $0x80000000, v3;
	v52 =	vperm.xlane v41, v0;
	v42 =	vld [tilespmem:s21+$0x0];
	vm11 =	vmor vm3, vm5;
	[tilespmem:$0x1FFB0] =	vst v19;
	v27, _, _ =	vpop (xrf2)  }
0x5c: {  	vm9 =	vmand vm3, vm4;
	v19 =	vshra.s32 v41, $0xE;
	[tilespmem:v6+s14+$0x0] =	vst.idx.add.f32.msk vm1, v7;
	v53 =	vsub.f32 $0.0e+00, v27  }
0x5d: {  	v7 =	vshra.s32 v52, $0xE;
	(xrf2) =	vadd.scan.msk.f32 $0xffff, v4;
	[tilespmem:v28+s14+$0x0] =	vst.idx.add.f32.msk vm2, v27;
	v27 =	vimm.s32 $0x0  }
0x5e: {  	vm6 =	vne.s32 v19, v7;
	v27 =	vsel vm7, $0xFFFFFFFF, v27;
	[tilespmem:v23+s14+$0x0] =	vst.idx.add.f32.msk vm15, v53  }
0x5f: {  	v55 =	vxor.u32 $0x80000000, v30;
	v17 =	vld.idx.msk [tilespmem:v17+s15+$0x0], $0xffff;
	vm1 =	vmor vm6, vm5;
	v41, _, _ =	vpop (xrf2);
	[tilespmem:$0x1FFC0] =	vst v27  }
0x60: {  	v30 =	vshra.s32 v3, $0xE;
	v54 =	vmul.f32 v13, v43;
	v4 =	vperm.xlane v3, v0;
	[tilespmem:v2+s14+$0x0] =	vst.idx.add.f32.msk vm7, v41;
	v3, _, _ =	vpop (xrf2)  }
0x61: {  	[tilespmem:v24+s14+$0x0] =	vst.idx.add.f32.msk vm11, v3;
	v3 =	vsub.f32 $0.0e+00, v3  }
0x62: {  	v59 =	vimm.s32 $0x0;
	v27 =	vshra.s32 v4, $0xE;
	v57 =	vld [tilespmem:s22+$0x0];
	(xrf2) =	vadd.scan.msk.f32 $0xffff, v54  }
0x63: {  	vm12 =	vmand vm6, vm4;
	v36 =	vsel vm1, $0xFFFFFFFF, v59;
	vm3 =	vne.s32 v30, v27;
	[tilespmem:v18+s14+$0x0] =	vst.idx.add.f32.msk vm9, v3  }
0x64: {  	v61 =	vxor.u32 $0x80000000, v46;
	v56 =	vperm.xlane v55, v0;
	v44 =	vld [tilespmem:s22+$0xFFFFFFF0];
	vm13 =	vmor vm3, vm5;
	v58, _, _ =	vpop (xrf2);
	[tilespmem:$0x1FFD0] =	vst v36  }
0x65: {  	vm0 =	vmand vm0, vm4;
	v45 =	vxor.u32 $0x80000000, v63;
	v16 =	vmul.f32 v17, v16;
	[tilespmem:v19+s14+$0x0] =	vst.idx.add.f32.msk vm1, v58  }
0x66: {  	v52 =	vimm.s32 $0x0;
	v4 =	vshra.s32 v55, $0xE;
	v3 =	vshra.s32 v56, $0xE;
	v50 =	vld.idx.msk [tilespmem:v33+s15+$0x0], $0xffff  }
0x67: {  	v52 =	vsel vm12, $0xFFFFFFFF, v52;
	(xrf2) =	vadd.scan.msk.f32 $0xffff, v16;
	v48 =	vsub.f32 $0.0e+00, v58;
	vm6 =	vne.s32 v4, v3;
	v43, _, _ =	vpop (xrf2);
	v51 =	vld [tilespmem:s22+$0xFFFFFFE0]  }
0x68: {  	v63 =	vxor.u32 $0x80000000, v57;
	vm1 =	vmor vm6, vm5;
	vm5 =	vmmov vm0;
	v60, v33, _ =	vpop (xrf1);
	v47 =	vld [tilespmem:s22+$0xFFFFFFD0];
	[tilespmem:$0x1FFE0] =	vst v52  }
0x69: {  	vm6 =	vmand vm6, vm4;
	vm0 =	vmand vm3, vm4;
	v16 =	vxor.u32 $0x80000000, v60;
	v62, v36, _ =	vpop (xrf1);
	[tilespmem:v7+s14+$0x0] =	vst.idx.add.f32.msk vm12, v48  }
0x6a: {  	v37 =	vand.u32 $0x3FFF, v60;
	v17 =	vperm.xlane v16, v0;
	v53 =	vxor.u32 $0x80000000, v62;
	[tilespmem:v30+s14+$0x0] =	vst.idx.add.f32.msk vm13, v43  }
0x6b: {  	(xrf1) =	vsort.ascd.msk.u32 $0xffff, v63, v42;
	v39 =	vand.u32 $0x3FFF, v62;
	v48 =	vxor.u32 $0x80000000, v44;
	v42 =	vld.idx.msk [tilespmem:v29+s15+$0x0], $0xffff;
	v44 =	vperm.xlane v53, v0  }
0x6c: {  	s23 =	simm.s32 $0x80;
	(xrf1) =	vsort.ascd.msk.u32 $0xffff, v61, v49;
	v29 =	vshra.s32 v53, $0xE;
	v40 =	vld.idx.msk [tilespmem:v38+s15+$0x0], $0xffff;
	v46 =	vxor.u32 $0x80000000, v51;
	v49 =	vmul.f32 v50, v34;
	v38, _, _ =	vpop (xrf2)  }
.LBB2_3:
0x6d: {  	_ = 	snop  }
0x6e: {  	(xrf2) =	vadd.scan.msk.f32 $0xffff, v49  }
0x6f: {  	v26 =	vld.idx.msk [tilespmem:v26+s15+$0x0], $0xffff  }
0x70: {  	(xrf1) =	vsort.ascd.msk.u32 $0xffff, v45, v35;
	v56 =	vld.idx.msk [tilespmem:v37+s3+$0x0], $0xffff  }
0x71: {  	v57 =	vld.idx.msk [tilespmem:v39+s3+$0x0], $0xffff;
	(xrf1) =	vsort.ascd.msk.u32 $0xffff, v48, v31;
	v31 =	vsub.f32 $0.0e+00, v43;
	v47 =	vxor.u32 $0x80000000, v47  }
0x72: {  	[tilespmem:v4+s14+$0x0] =	vst.idx.add.f32.msk vm1, v38;
	(xrf1) =	vsort.ascd.msk.u32 $0xffff, v47, v20;
	v20 =	vsub.f32 $0.0e+00, v38  }
0x73: {  	[tilespmem:v27+s14+$0x0] =	vst.idx.add.f32.msk vm0, v31  }
0x74: {  	[tilespmem:v3+s14+$0x0] =	vst.idx.add.f32.msk vm6, v20;
	v20 =	vsub.f32 $0.0e+00, v41  }
0x75: {  	v31 =	vmul.f32 v40, v14;
	v14 =	vmul.f32 v26, v21;
	v21 =	vld.idx.msk [tilespmem:v22+s15+$0x0], $0xffff  }
0x76: {  	[tilespmem:v1+s14+$0x0] =	vst.idx.add.f32.msk vm5, v20;
	v20 =	vmul.f32 v42, v10  }
0x77: {  	v58, _, _ =	vpop (xrf2);
	(xrf2) =	vadd.scan.msk.f32 $0xffff, v14;
	v22 =	vld.idx.msk [tilespmem:v12+s15+$0x0], $0xffff  }
0x78: {  	v12, _, _ =	vpop (xrf2);
	(xrf2) =	vadd.scan.msk.f32 $0xffff, v20  }
0x79: {  	(xrf1) =	vsort.ascd.msk.u32 $0xffff, v46, v15;
	v15 =	vld.idx.msk [tilespmem:v11+s15+$0x0], $0xffff  }
0x7a: {  	v14 =	vsub.f32 $0.0e+00, v58  }
0x7b: {  	[tilespmem:v32+s16+$0x0] =	vst.idx.add.f32.msk vm14, v58  }
0x7c: {  	v26 =	vmul.f32 v36, v57;
	v57 =	vmul.f32 v22, v5;
	v5 =	vld [tilespmem:$0x1FFF0]  }
0x7d: {  	[tilespmem:v25+s16+$0x0] =	vst.idx.add.f32.msk vm8, v14  }
0x7e: {  	v59 =	vmul.f32 v15, v9;
	[tilespmem:v28+s16+$0x0] =	vst.idx.add.f32.msk vm2, v12;
	v12 =	vsub.f32 $0.0e+00, v12;
	v14, v25, _ =	vpop (xrf1)  }
0x7f: {  	v11 =	vmov v37;
	v37 =	vmul.f32 v33, v56;
	v9 =	vmov v33;
	v20, v33, _ =	vpop (xrf1)  }
0x80: {  	s21 =	sadd.s32 $0x80, s21;
	v10 =	vmov v36;
	(xrf2) =	vadd.scan.msk.f32 $0xffff, v59;
	[tilespmem:v23+s16+$0x0] =	vst.idx.add.f32.msk vm15, v12;
	v60, v38, _ =	vpop (xrf1)  }
0x81: {  	v41 =	vld [tilespmem:s21+$0x30];
	(xrf2) =	vadd.scan.msk.f32 $0xffff, v26;
	v36 =	vand.u32 $0x3FFF, v60;
	vm8 =	vnez.u8 v5;
	v5 =	vmov v25;
	v25, _, _ =	vpop (xrf2)  }
0x82: {  	v34 =	vmov v39;
	v45 =	vxor.u32 $0x80000000, v20;
	v39 =	vand.u32 $0x3FFF, v20;
	v20 =	vld [tilespmem:s21+$0xFFFFFFD0];
	(xrf2) =	vadd.scan.msk.f32 $0xffff, v31;
	v31, _, _ =	vpop (xrf2)  }
0x83: {  	[tilespmem:v8+s16+$0x0] =	vst.idx.add.f32.msk vm10, v31  }
0x84: {  	v54 =	vsub.f32 $0.0e+00, v31;
	v31 =	vld [tilespmem:$0x1FFB0]  }
0x85: {  	[tilespmem:v24+s16+$0x0] =	vst.idx.add.f32.msk vm11, v25  }
0x86: {  	v61 =	vmul.f32 v21, v13;
	v28 =	vxor.u32 $0x80000000, v14;
	v12 =	vand.u32 $0x3FFF, v14;
	v13, v14, _ =	vpop (xrf1);
	v24 =	vld.idx.msk [tilespmem:v36+s3+$0x0], $0xffff  }
0x87: {  	s22 =	sadd.s32 $0x80, s22;
	vm4 =	vmmov vm6;
	v50 =	vshra.s32 v44, $0xE;
	v44 =	vld [tilespmem:s21+$0xFFFFFFC0];
	v42 =	vxor.u32 $0x80000000, v13;
	v22, v21, _ =	vpop (xrf1)  }
0x88: {  	v49 =	vld [tilespmem:s22+$0xFFFFFFC0];
	v40 =	vand.u32 $0x3FFF, v13;
	v51 =	vxor.u32 $0x80000000, v22;
	v26 =	vand.u32 $0x3FFF, v22;
	v22, v13, _ =	vpop (xrf1)  }
0x89: {  	v15 =	vld [tilespmem:s21+$0xFFFFFFE0];
	v53 =	vxor.u32 $0x80000000, v22;
	v22 =	vand.u32 $0x3FFF, v22;
	vm6 =	vnez.u8 v31  }
0x8a: {  	v35 =	vld [tilespmem:s21+$0x20]  }
0x8b: {  	v25 =	vsub.f32 $0.0e+00, v25;
	v59 =	vmul.f32 v38, v24;
	v24 =	vld.idx.msk [tilespmem:v12+s3+$0x0], $0xffff  }
0x8c: {  	v58 =	vld.idx.msk [tilespmem:v39+s3+$0x0], $0xffff  }
0x8d: {  	[tilespmem:v18+s16+$0x0] =	vst.idx.add.f32.msk vm9, v25  }
0x8e: {  	vm3 =	vne.s32 v29, v50;
	v63 =	vxor.u32 $0x80000000, v60;
	v60 =	vld.idx.msk [tilespmem:v22+s3+$0x0], $0xffff  }
0x8f: {  	v55 =	vperm.xlane v28, v0;
	v23 =	vperm.xlane v63, v0;
	[tilespmem:v6+s16+$0x0] =	vst.idx.add.f32.msk vm6, v54  }
0x90: {  	v54 =	vshra.s32 v28, $0xE;
	v28 =	vshra.s32 v63, $0xE;
	v63 =	vmul.f32 v5, v24;
	v24 =	vld [tilespmem:$0x1FFD0]  }
0x91: {  	v62 =	vperm.xlane v45, v0;
	(xrf2) =	vadd.scan.msk.f32 $0xffff, v61;
	v8 =	vmov v29;
	v29 =	vld.idx.msk [tilespmem:v40+s3+$0x0], $0xffff;
	v18, _, _ =	vpop (xrf2);
	v25 =	vmul.f32 v33, v58  }
0x92: {  	v32 =	vshra.s32 v45, $0xE;
	(xrf2) =	vadd.scan.msk.f32 $0xffff, v57;
	[tilespmem:v30+s16+$0x0] =	vst.idx.add.f32.msk vm13, v18;
	v30, _, _ =	vpop (xrf2);
	v18 =	vsub.f32 $0.0e+00, v18  }
0x93: {  	vm13 =	vcmask $0x3F3C;
	(xrf2) =	vadd.scan.msk.f32 $0xffff, v25;
	v25 =	vshra.s32 v62, $0xE;
	v6 =	vmovc v50;
	v50 =	vmul.f32 v13, v60;
	v60 =	vld [tilespmem:$0x1FFC0]  }
0x94: {  	v52 =	vperm.xlane v51, v0;
	vm10 =	vmor vm3, vm13;
	[tilespmem:v27+s16+$0x0] =	vst.idx.add.f32.msk vm0, v18;
	vm0 =	vne.s32 v32, v25  }
0x95: {  	v61 =	vld.idx.msk [tilespmem:v26+s3+$0x0], $0xffff;
	vm14 =	vmor vm0, vm13;
	vm12 =	vmand vm0, vm8;
	vm0 =	vnez.u8 v24  }
0x96: {  	v58 =	vld [tilespmem:$0x1FFE0]  }
0x97: {  	v18 =	vshra.s32 v52, $0xE;
	v52 =	vld [tilespmem:s22+$0x10]  }
0x98: {  	v31 =	vld [tilespmem:s21+$0xFFFFFFF0];
	vm7 =	vnez.u8 v60  }
0x99: {  	v45 =	vld [tilespmem:s22+$0x30]  }
0x9a: {  	v27, _, _ =	vpop (xrf2);
	[tilespmem:v8+s14+$0x0] =	vst.idx.add.f32.msk vm10, v30  }
0x9b: {  	v49 =	vxor.u32 $0x80000000, v49;
	v47 =	vshra.s32 v55, $0xE;
	vm2 =	vmand vm3, vm8;
	[tilespmem:v19+s16+$0x0] =	vst.idx.add.f32.msk vm0, v27  }
0x9c: {  	v43 =	vperm.xlane v42, v0;
	v62 =	vsub.f32 $0.0e+00, v27;
	vm6 =	vmmov vm2;
	v19, _, _ =	vpop (xrf2);
	v27 =	vld [tilespmem:s22+$0x20]  }
0x9d: {  	v23 =	vshra.s32 v23, $0xE;
	(xrf1) =	vsort.ascd.msk.u32 $0xffff, v49, v44;
	vm0 =	vnez.u8 v58;
	[tilespmem:v4+s16+$0x0] =	vst.idx.add.f32.msk vm1, v19;
	v57, _, _ =	vpop (xrf2)  }
0x9e: {  	v56 =	vperm.xlane v53, v0;
	(xrf2) =	vadd.scan.msk.f32 $0xffff, v59;
	v19 =	vsub.f32 $0.0e+00, v19;
	v59, _, _ =	vpop (xrf2);
	[tilespmem:v2+s16+$0x0] =	vst.idx.add.f32.msk vm7, v57  }
0x9f: {  	v48 =	vmul.f32 v21, v61;
	(xrf2) =	vadd.scan.msk.f32 $0xffff, v63;
	v61 =	vsub.f32 $0.0e+00, v59;
	[tilespmem:v32+s14+$0x0] =	vst.idx.add.f32.msk vm14, v59  }
0xa0: {  	vm11 =	vne.s32 v54, v47;
	vm3 =	vne.s32 v28, v23;
	[tilespmem:v3+s16+$0x0] =	vst.idx.add.f32.msk vm4, v19;
	v19 =	vsub.f32 $0.0e+00, v30  }
0xa1: {  	vm2 =	vmor vm11, vm13;
	vm11 =	vmand vm11, vm8;
	vm15 =	vmand vm3, vm8;
	[tilespmem:v25+s14+$0x0] =	vst.idx.add.f32.msk vm12, v61  }
0xa2: {  	v24 =	vshra.s32 v51, $0xE;
	vm7 =	vmmov vm2;
	(xrf2) =	vadd.scan.msk.f32 $0xffff, v48;
	[tilespmem:v6+s14+$0x0] =	vst.idx.add.f32.msk vm6, v19  }
0xa3: {  	vm2 =	vmor vm3, vm13;
	[tilespmem:v7+s16+$0x0] =	vst.idx.add.f32.msk vm0, v62;
	v7 =	vmul.f32 v14, v29;
	v29 =	vsub.f32 $0.0e+00, v57  }
0xa4: {  	v51 =	vshra.s32 v56, $0xE;
	vm9 =	vne.s32 v24, v18;
	v4 =	vshra.s32 v53, $0xE;
	v49 =	vld [tilespmem:s21+$0x10]  }
0xa5: {  	v59 =	vxor.u32 $0x80000000, v52;
	[tilespmem:v1+s16+$0x0] =	vst.idx.add.f32.msk vm5, v29;
	v29 =	vxor.u32 $0x80000000, v45;
	(xrf2) =	vadd.scan.msk.f32 $0xffff, v7  }
0xa6: {  	v19 =	vshra.s32 v42, $0xE;
	v61 =	vimm.s32 $0x0;
	v42 =	vld [tilespmem:s22+$0xFFFFFFF0];
	v7 =	vimm.s32 $0x0;
	(xrf1) =	vsort.ascd.msk.u32 $0xffff, v29, v41  }
0xa7: {  	vm0 =	vne.s32 v4, v51;
	vm5 =	vmmov vm11;
	v46 =	vld [tilespmem:s21+$0x0];
	v7 =	vsel vm6, $0xFFFFFFFF, v7  }
0xa8: {  	v45 =	vxor.u32 $0x80000000, v27;
	vm11 =	vmor vm9, vm13;
	v29 =	vld.idx.msk [tilespmem:v39+s15+$0x0], $0xffff;
	v27, _, _ =	vpop (xrf2);
	[tilespmem:$0x1FFB0] =	vst v7;
	v7 =	vshra.s32 v43, $0xE  }
0xa9: {  	(xrf2) =	vadd.scan.msk.f32 $0xffff, v37;
	v30 =	vsub.f32 $0.0e+00, v27;
	vm6 =	vne.s32 v19, v7;
	[tilespmem:v28+s14+$0x0] =	vst.idx.add.f32.msk vm2, v27;
	v41, _, _ =	vpop (xrf2)  }
0xaa: {  	vm9 =	vmand vm9, vm8;
	v27 =	vimm.s32 $0x0;
	vm4 =	vmor vm6, vm13;
	[tilespmem:v54+s14+$0x0] =	vst.idx.add.f32.msk vm7, v41  }
0xab: {  	v27 =	vsel vm7, $0xFFFFFFFF, v27;
	vm7 =	vmand vm6, vm8;
	v48 =	vxor.u32 $0x80000000, v42;
	[tilespmem:v23+s14+$0x0] =	vst.idx.add.f32.msk vm15, v30  }
0xac: {  	v42 =	vld.idx.msk [tilespmem:v34+s15+$0x0], $0xffff;
	[tilespmem:$0x1FFC0] =	vst v27;
	v30 =	vshra.s32 v16, $0xE;
	v16, _, _ =	vpop (xrf2);
	v27 =	vshra.s32 v17, $0xE;
	(xrf2) =	vadd.scan.msk.f32 $0xffff, v50  }
0xad: {  	vm1 =	vmor vm0, vm13;
	v63 =	vld [tilespmem:s22+$0x0];
	v52 =	vsel vm7, $0xFFFFFFFF, v61;
	vm3 =	vne.s32 v30, v27  }
0xae: {  	[tilespmem:v24+s14+$0x0] =	vst.idx.add.f32.msk vm11, v16;
	v17 =	vmul.f32 v29, v33;
	v29 =	vimm.s32 $0x0;
	vm13 =	vmor vm3, vm13  }
0xaf: {  	v62 =	vsub.f32 $0.0e+00, v16;
	v56 =	vld.idx.msk [tilespmem:v36+s15+$0x0], $0xffff;
	[tilespmem:$0x1FFE0] =	vst v52;
	v29 =	vsel vm4, $0xFFFFFFFF, v29  }
0xb0: {  	s23 =	sadd.s32 $0x80, s23;
	[tilespmem:$0x1FFD0] =	vst v29;
	v29 =	vld [tilespmem:s22+$0xFFFFFFE0];
	v16, _, _ =	vpop (xrf2)  }
0xb1: {  	p0 =	slt.u32 s23, $0x1F80;
	v57, v33, _ =	vpop (xrf1);
	[tilespmem:v18+s14+$0x0] =	vst.idx.add.f32.msk vm9, v62;
	v58 =	vsub.f32 $0.0e+00, v16  }
.Ltmp0:
0xb2: {  	v2 =	vmovc v54;
	v3 =	vmov v51;
	vm6 =	vmand vm0, vm8;
	v37 =	vand.u32 $0x3FFF, v57;
	[tilespmem:v19+s14+$0x0] =	vst.idx.add.f32.msk vm4, v16;
	(pc) =	sbr.rel @p0 .LBB2_3-.Ltmp0, $4  }
0xb3: {  	vm0 =	vmand vm3, vm8;
	vm8 =	vmmov vm12;
	v16 =	vxor.u32 $0x80000000, v57;
	v43, _, _ =	vpop (xrf2);
	[tilespmem:v7+s14+$0x0] =	vst.idx.add.f32.msk vm7, v58  }
0xb4: {  	(xrf2) =	vadd.scan.msk.f32 $0xffff, v17;
	v62 =	vxor.u32 $0x80000000, v63;
	v17 =	vperm.xlane v16, v0;
	[tilespmem:v30+s14+$0x0] =	vst.idx.add.f32.msk vm13, v43;
	v60, v36, _ =	vpop (xrf1)  }
0xb5: {  	v1 =	vmovc v47;
	v40 =	vld.idx.msk [tilespmem:v40+s15+$0x0], $0xffff;
	(xrf1) =	vsort.ascd.msk.u32 $0xffff, v62, v46;
	v46 =	vxor.u32 $0x80000000, v29;
	v63 =	vxor.u32 $0x80000000, v60;
	v39 =	vand.u32 $0x3FFF, v60  }
0xb6: {  	v47 =	vld [tilespmem:s22+$0xFFFFFFD0];
	(xrf1) =	vsort.ascd.msk.u32 $0xffff, v59, v49;
	v49 =	vmul.f32 v56, v38;
	v38, _, _ =	vpop (xrf2);
	v44 =	vperm.xlane v63, v0;
	v29 =	vshra.s32 v63, $0xE  }
0xb7: {  	_ =	sdelay $0x3  }
0xb8: {  	v26 =	vld.idx.msk [tilespmem:v26+s15+$0x0], $0xffff;
	_ =	sdelay $0x1  }
0xb9: {  	(xrf1) =	vsort.ascd.msk.u32 $0xffff, v45, v35  }
0xba: {  	(xrf2) =	vadd.scan.msk.f32 $0xffff, v49;
	_ =	sdelay $0x1  }
0xbb: {  	(xrf1) =	vsort.ascd.msk.u32 $0xffff, v48, v31;
	v34 =	vxor.u32 $0x80000000, v47;
	v21 =	vmul.f32 v26, v21  }
0xbc: {  	v45 =	vld.idx.msk [tilespmem:v39+s3+$0x0], $0xffff;
	v10 =	vmul.f32 v42, v10;
	(xrf1) =	vsort.ascd.msk.u32 $0xffff, v34, v20  }
0xbd: {  	[tilespmem:v4+s14+$0x0] =	vst.idx.add.f32.msk vm1, v38;
	v49 =	vsub.f32 $0.0e+00, v38;
	(xrf2) =	vadd.scan.msk.f32 $0xffff, v21  }
0xbe: {  	v31 =	vld.idx.msk [tilespmem:v37+s3+$0x0], $0xffff;
	(xrf2) =	vadd.scan.msk.f32 $0xffff, v10  }
0xbf: {  	[tilespmem:v3+s14+$0x0] =	vst.idx.add.f32.msk vm6, v49;
	v47 =	vsub.f32 $0.0e+00, v43  }
0xc0: {  	v22 =	vld.idx.msk [tilespmem:v22+s15+$0x0], $0xffff  }
0xc1: {  	v53 =	vimm.s32 $0x0;
	[tilespmem:v27+s14+$0x0] =	vst.idx.add.f32.msk vm0, v47;
	v48, _, _ =	vpop (xrf2)  }
0xc2: {  	v51 =	vsub.f32 $0.0e+00, v41;
	v21 =	vsel vm5, $0xFFFFFFFF, v53;
	[tilespmem:v32+s16+$0x0] =	vst.idx.add.f32.msk vm14, v48  }
0xc3: {  	v11 =	vld.idx.msk [tilespmem:v11+s15+$0x0], $0xffff;
	v54 =	vsub.f32 $0.0e+00, v48;
	[tilespmem:$0x1FF60] =	vst v21;
	v56, _, _ =	vpop (xrf2)  }
0xc4: {  	[tilespmem:v1+s14+$0x0] =	vst.idx.add.f32.msk vm5, v51;
	v50, v10, _ =	vpop (xrf1)  }
0xc5: {  	[tilespmem:v25+s16+$0x0] =	vst.idx.add.f32.msk vm8, v54;
	(xrf1) =	vsort.ascd.msk.u32 $0xffff, v46, v15;
	v57 =	vsub.f32 $0.0e+00, v56;
	v52, v15, _ =	vpop (xrf1)  }
0xc6: {  	[tilespmem:v28+s16+$0x0] =	vst.idx.add.f32.msk vm2, v56;
	v41, v20, _ =	vpop (xrf1)  }
0xc7: {  	[tilespmem:v23+s16+$0x0] =	vst.idx.add.f32.msk vm15, v57;
	v60, _, _ =	vpop (xrf2)  }
0xc8: {  	[tilespmem:v24+s16+$0x0] =	vst.idx.add.f32.msk vm11, v60;
	v23 =	vsub.f32 $0.0e+00, v60;
	v62, _, _ =	vpop (xrf2)  }
0xc9: {  	v9 =	vmul.f32 v11, v9;
	v28, v11, _ =	vpop (xrf1);
	[tilespmem:v8+s16+$0x0] =	vst.idx.add.f32.msk vm10, v62  }
0xca: {  	v14 =	vmul.f32 v40, v14;
	v58, v21, _ =	vpop (xrf1);
	[tilespmem:v18+s16+$0x0] =	vst.idx.add.f32.msk vm9, v23  }
0xcb: {  	v38 =	vand.u32 $0x3FFF, v52;
	v40 =	vand.u32 $0x3FFF, v58;
	v54 =	vxor.u32 $0x80000000, v58;
	v58 =	vld [tilespmem:$0x1FFB0]  }
0xcc: {  	v25 =	vand.u32 $0x3FFF, v41  }
0xcd: {  	v55 =	vld.idx.msk [tilespmem:v12+s15+$0x0], $0xffff;
	v12 =	vand.u32 $0x3FFF, v50;
	(xrf2) =	vadd.scan.msk.f32 $0xffff, v9  }
0xce: {  	v56 =	vld [tilespmem:$0x1FFF0]  }
0xcf: {  	vm7 =	vmmov vm1;
	vm4 =	vcmask $0x3F3C  }
0xd0: {  	v13 =	vmul.f32 v22, v13;
	v22 =	vand.u32 $0x3FFF, v28;
	v59 =	vld.idx.msk [tilespmem:v38+s3+$0x0], $0xffff;
	vm1 =	vnez.u8 v58  }
0xd1: {  	v34 =	vmul.f32 v36, v45;
	v9 =	vshra.s32 v44, $0xE;
	v63 =	vxor.u32 $0x80000000, v52;
	v61 =	vld.idx.msk [tilespmem:v25+s3+$0x0], $0xffff  }
0xd2: {  	vm2 =	vne.s32 v29, v9;
	v49 =	vperm.xlane v63, v0;
	v18 =	vxor.u32 $0x80000000, v50;
	v50 =	vld.idx.msk [tilespmem:v12+s3+$0x0], $0xffff  }
0xd3: {  	v5 =	vmul.f32 v55, v5;
	vm14 =	vmor vm2, vm4;
	vm8 =	vnez.u8 v56  }
0xd4: {  	(xrf2) =	vadd.scan.msk.f32 $0xffff, v34;
	v60 =	vimm.s32 $0x0;
	v51 =	vsub.f32 $0.0e+00, v62;
	vm3 =	vmand vm2, vm8  }
0xd5: {  	(xrf2) =	vadd.scan.msk.f32 $0xffff, v14;
	v8 =	vshra.s32 v63, $0xE;
	v23 =	vshra.s32 v49, $0xE;
	v55 =	vld.idx.msk [tilespmem:v22+s3+$0x0], $0xffff;
	vm12 =	vmmov vm3  }
0xd6: {  	v48 =	vmul.f32 v15, v59;
	v24 =	vmul.f32 v20, v61;
	v45 =	vsel vm12, $0xFFFFFFFF, v60;
	[tilespmem:v6+s16+$0x0] =	vst.idx.add.f32.msk vm1, v51  }
0xd7: {  	v59, _, _ =	vpop (xrf2);
	v52 =	vld.idx.msk [tilespmem:v40+s3+$0x0], $0xffff;
	v61 =	vimm.s32 $0x0;
	v62 =	vmul.f32 v10, v50;
	vm2 =	vne.s32 v8, v23;
	[tilespmem:$0x1FF90] =	vst v45  }
0xd8: {  	v50 =	vimm.s32 $0x0;
	vm15 =	vmor vm2, vm4;
	[tilespmem:v30+s16+$0x0] =	vst.idx.add.f32.msk vm13, v59;
	v30 =	vsel vm14, $0xFFFFFFFF, v61  }
0xd9: {  	v26 =	vxor.u32 $0x80000000, v41;
	v49 =	vsub.f32 $0.0e+00, v59;
	v6 =	vsel vm15, $0xFFFFFFFF, v50;
	[tilespmem:$0x1FF80] =	vst v30  }
0xda: {  	v53 =	vperm.xlane v26, v0;
	[tilespmem:$0x1FF70] =	vst v6  }
0xdb: {  	(xrf2) =	vadd.scan.msk.f32 $0xffff, v13;
	[tilespmem:v27+s16+$0x0] =	vst.idx.add.f32.msk vm0, v49  }
0xdc: {  	(xrf2) =	vadd.scan.msk.f32 $0xffff, v5;
	v63 =	vperm.xlane v18, v0;
	v5 =	vshra.s32 v18, $0xE;
	v18 =	vshra.s32 v53, $0xE;
	v53 =	vld [tilespmem:$0x1FFD0];
	_ =	sdelay $0x1  }
0xdd: {  	(xrf2) =	vadd.scan.msk.f32 $0xffff, v48  }
0xde: {  	v41, v42, _ =	vpop (xrf1)  }
0xdf: {  	v14 =	vmul.f32 v33, v31;
	v31 =	vand.u32 $0x3FFF, v41;
	(xrf2) =	vadd.scan.msk.f32 $0xffff, v24;
	v13 =	vmul.f32 v21, v52  }
0xe0: {  	v48, _, _ =	vpop (xrf2);
	(xrf2) =	vadd.scan.msk.f32 $0xffff, v62;
	vm5 =	vnez.u8 v53  }
0xe1: {  	v28 =	vxor.u32 $0x80000000, v28;
	v30, _, _ =	vpop (xrf2);
	(xrf2) =	vadd.scan.msk.f32 $0xffff, v13  }
0xe2: {  	v57 =	vperm.xlane v54, v0;
	v24 =	vshra.s32 v26, $0xE;
	v6 =	vshra.s32 v63, $0xE  }
0xe3: {  	vm3 =	vne.s32 v24, v18;
	vm1 =	vmand vm2, vm8;
	vm2 =	vne.s32 v5, v6  }
0xe4: {  	v56 =	vimm.s32 $0x0;
	vm9 =	vmor vm3, vm4;
	v51 =	vld.idx.msk [tilespmem:v31+s3+$0x0], $0xffff;
	vm0 =	vmor vm2, vm4  }
0xe5: {  	vm10 =	vmand vm3, vm8;
	v52 =	vmul.f32 v11, v55;
	[tilespmem:v29+s14+$0x0] =	vst.idx.add.f32.msk vm14, v48;
	v26, _, _ =	vpop (xrf2);
	vm3 =	vmmov vm0  }
0xe6: {  	v35 =	vperm.xlane v28, v0;
	v27 =	vshra.s32 v57, $0xE;
	v43, _, _ =	vpop (xrf2);
	v44 =	vsel vm3, $0xFFFFFFFF, v56;
	[tilespmem:v19+s16+$0x0] =	vst.idx.add.f32.msk vm5, v30  }
0xe7: {  	v57 =	vsub.f32 $0.0e+00, v48;
	(xrf2) =	vadd.scan.msk.f32 $0xffff, v52;
	v19 =	vshra.s32 v54, $0xE;
	v54, _, _ =	vpop (xrf2);
	[tilespmem:$0x1FFA0] =	vst v44  }
0xe8: {  	v16 =	vshra.s32 v16, $0xE;
	v28 =	vshra.s32 v28, $0xE;
	v32 =	vshra.s32 v35, $0xE;
	[tilespmem:v8+s14+$0x0] =	vst.idx.add.f32.msk vm15, v54  }
0xe9: {  	vm2 =	vmand vm2, vm8;
	v13 =	vmul.f32 v42, v51;
	(xrf2) =	vadd.scan.msk.f32 $0xffff, v14;
	v58, _, _ =	vpop (xrf2);
	[tilespmem:v9+s14+$0x0] =	vst.idx.add.f32.msk vm12, v57  }
0xea: {  	vm2 =	vmmov vm2;
	vm5 =	vne.s32 v19, v27;
	v55 =	vsub.f32 $0.0e+00, v54;
	[tilespmem:v24+s14+$0x0] =	vst.idx.add.f32.msk vm9, v58;
	v61, _, _ =	vpop (xrf2)  }
0xeb: {  	vm0 =	vne.s32 v28, v32;
	vm11 =	vmor vm5, vm4;
	[tilespmem:v4+s16+$0x0] =	vst.idx.add.f32.msk vm7, v26;
	v62, _, _ =	vpop (xrf2);
	(xrf2) =	vadd.scan.msk.f32 $0xffff, v13  }
0xec: {  	v17 =	vshra.s32 v17, $0xE;
	v41 =	vxor.u32 $0x80000000, v41;
	vm12 =	vmor vm0, vm4;
	[tilespmem:v23+s14+$0x0] =	vst.idx.add.f32.msk vm1, v55  }
0xed: {  	v44 =	vperm.xlane v41, v0;
	vm13 =	vmand vm5, vm8;
	v60 =	vsub.f32 $0.0e+00, v58;
	[tilespmem:v5+s14+$0x0] =	vst.idx.add.f32.msk vm3, v61  }
0xee: {  	vm14 =	vmand vm0, vm8;
	vm0 =	vne.s32 v16, v17;
	v14 =	vsub.f32 $0.0e+00, v61;
	v59 =	vld.idx.msk [tilespmem:v38+s15+$0x0], $0xffff  }
0xef: {  	vm15 =	vmor vm0, vm4;
	v13 =	vshra.s32 v41, $0xE;
	v35 =	vshra.s32 v44, $0xE;
	[tilespmem:v18+s14+$0x0] =	vst.idx.add.f32.msk vm10, v60  }
0xf0: {  	vm3 =	vmand vm0, vm8;
	vm5 =	vne.s32 v13, v35;
	[tilespmem:v6+s14+$0x0] =	vst.idx.add.f32.msk vm2, v14  }
0xf1: {  	v63 =	vsub.f32 $0.0e+00, v62;
	v45, _, _ =	vpop (xrf2);
	vm0 =	vmor vm5, vm4;
	[tilespmem:v19+s14+$0x0] =	vst.idx.add.f32.msk vm11, v62  }
0xf2: {  	v38 =	vsub.f32 $0.0e+00, v45;
	vm5 =	vmand vm5, vm8;
	[tilespmem:v28+s14+$0x0] =	vst.idx.add.f32.msk vm12, v45  }
0xf3: {  	[tilespmem:v27+s14+$0x0] =	vst.idx.add.f32.msk vm13, v63;
	v46, _, _ =	vpop (xrf2)  }
0xf4: {  	[tilespmem:v32+s14+$0x0] =	vst.idx.add.f32.msk vm14, v38;
	v49 =	vsub.f32 $0.0e+00, v46  }
0xf5: {  	[tilespmem:v16+s14+$0x0] =	vst.idx.add.f32.msk vm15, v46;
	v51, _, _ =	vpop (xrf2)  }
0xf6: {  	[tilespmem:v17+s14+$0x0] =	vst.idx.add.f32.msk vm3, v49;
	v53 =	vsub.f32 $0.0e+00, v51  }
0xf7: {  	[tilespmem:v13+s14+$0x0] =	vst.idx.add.f32.msk vm0, v51  }
0xf8: {  	[tilespmem:v35+s14+$0x0] =	vst.idx.add.f32.msk vm5, v53  }
0xf9: {  	v4 =	vld [tilespmem:$0x1FFE0];
	_ =	sdelay $0x4  }
0xfa: {  	vm7 =	vnez.u8 v4;
	_ =	sdelay $0x3  }
0xfb: {  	v56 =	vsub.f32 $0.0e+00, v30;
	_ =	sdelay $0x1  }
0xfc: {  	[tilespmem:v7+s16+$0x0] =	vst.idx.add.f32.msk vm7, v56  }
0xfd: {  	v7 =	vld [tilespmem:$0x1FFC0];
	_ =	sdelay $0x4  }
0xfe: {  	vm7 =	vnez.u8 v7;
	_ =	sdelay $0x5  }
0xff: {  	[tilespmem:v2+s16+$0x0] =	vst.idx.add.f32.msk vm7, v43  }
0x100: {  	v60 =	vld [tilespmem:$0x1FF60];
	_ =	sdelay $0x4  }
0x101: {  	vm7 =	vnez.u8 v60;
	_ =	sdelay $0x1  }
0x102: {  	v25 =	vld.idx.msk [tilespmem:v25+s15+$0x0], $0xffff  }
0x103: {  	v48 =	vld.idx.msk [tilespmem:v40+s15+$0x0], $0xffff;
	v2 =	vsub.f32 $0.0e+00, v26  }
0x104: {  	v58 =	vsub.f32 $0.0e+00, v43;
	v15 =	vmul.f32 v59, v15  }
0x105: {  	[tilespmem:v3+s16+$0x0] =	vst.idx.add.f32.msk vm6, v2  }
0x106: {  	(xrf2) =	vadd.scan.msk.f32 $0xffff, v15;
	[tilespmem:v1+s16+$0x0] =	vst.idx.add.f32.msk vm7, v58  }
0x107: {  	v50 =	vmul.f32 v25, v20;
	v62 =	vld [tilespmem:$0x1FF70]  }
0x108: {  	v54 =	vmul.f32 v48, v21  }
0x109: {  	(xrf2) =	vadd.scan.msk.f32 $0xffff, v50  }
0x10a: {  	(xrf2) =	vadd.scan.msk.f32 $0xffff, v54;
	_ =	sdelay $0x1  }
0x10b: {  	v47 =	vld.idx.msk [tilespmem:v39+s15+$0x0], $0xffff;
	vm6 =	vnez.u8 v62  }
0x10c: {  	v52 =	vld.idx.msk [tilespmem:v37+s15+$0x0], $0xffff  }
0x10d: {  	v22 =	vld.idx.msk [tilespmem:v22+s15+$0x0], $0xffff  }
0x10e: {  	v20 =	vld.idx.msk [tilespmem:v31+s15+$0x0], $0xffff  }
0x10f: {  	v12 =	vld.idx.msk [tilespmem:v12+s15+$0x0], $0xffff;
	v1, _, _ =	vpop (xrf2)  }
0x110: {  	v55 =	vmul.f32 v47, v36;
	v2 =	vsub.f32 $0.0e+00, v1  }
0x111: {  	v57 =	vmul.f32 v52, v33;
	[tilespmem:v8+s16+$0x0] =	vst.idx.add.f32.msk vm6, v1  }
0x112: {  	v59 =	vmul.f32 v22, v11;
	(xrf2) =	vadd.scan.msk.f32 $0xffff, v55;
	v1, _, _ =	vpop (xrf2);
	[tilespmem:v23+s16+$0x0] =	vst.idx.add.f32.msk vm1, v2  }
0x113: {  	(xrf2) =	vadd.scan.msk.f32 $0xffff, v57;
	v61 =	vmul.f32 v20, v42;
	v2 =	vsub.f32 $0.0e+00, v1;
	[tilespmem:v24+s16+$0x0] =	vst.idx.add.f32.msk vm9, v1;
	v1, _, _ =	vpop (xrf2)  }
0x114: {  	v3 =	vmul.f32 v12, v10;
	(xrf2) =	vadd.scan.msk.f32 $0xffff, v59;
	[tilespmem:v19+s16+$0x0] =	vst.idx.add.f32.msk vm11, v1  }
0x115: {  	(xrf2) =	vadd.scan.msk.f32 $0xffff, v61;
	[tilespmem:v18+s16+$0x0] =	vst.idx.add.f32.msk vm10, v2  }
0x116: {  	(xrf2) =	vadd.scan.msk.f32 $0xffff, v3;
	v3 =	vld [tilespmem:$0x1FF80];
	_ =	sdelay $0x4  }
0x117: {  	vm1 =	vnez.u8 v3;
	_ =	sdelay $0x2  }
0x118: {  	v1 =	vsub.f32 $0.0e+00, v1;
	_ =	sdelay $0x1  }
0x119: {  	[tilespmem:v27+s16+$0x0] =	vst.idx.add.f32.msk vm13, v1;
	v2, _, _ =	vpop (xrf2)  }
0x11a: {  	[tilespmem:v29+s16+$0x0] =	vst.idx.add.f32.msk vm1, v2  }
0x11b: {  	v3 =	vld [tilespmem:$0x1FF90];
	_ =	sdelay $0x4  }
0x11c: {  	vm1 =	vnez.u8 v3;
	_ =	sdelay $0x3  }
0x11d: {  	v2 =	vsub.f32 $0.0e+00, v2  }
0x11e: {  	v1, _, _ =	vpop (xrf2)  }
0x11f: {  	[tilespmem:v9+s16+$0x0] =	vst.idx.add.f32.msk vm1, v2;
	v2 =	vsub.f32 $0.0e+00, v1  }
0x120: {  	[tilespmem:v16+s16+$0x0] =	vst.idx.add.f32.msk vm15, v1;
	v1, _, _ =	vpop (xrf2)  }
0x121: {  	[tilespmem:v28+s16+$0x0] =	vst.idx.add.f32.msk vm12, v1;
	v1 =	vsub.f32 $0.0e+00, v1  }
0x122: {  	[tilespmem:v17+s16+$0x0] =	vst.idx.add.f32.msk vm3, v2  }
0x123: {  	[tilespmem:v32+s16+$0x0] =	vst.idx.add.f32.msk vm14, v1;
	v2, _, _ =	vpop (xrf2)  }
0x124: {  	[tilespmem:v13+s16+$0x0] =	vst.idx.add.f32.msk vm0, v2  }
0x125: {  	v63 =	vld [tilespmem:$0x1FFA0];
	_ =	sdelay $0x4  }
0x126: {  	vm0 =	vnez.u8 v63  }
0x127: {  	s20 =	sadd.s32 $0x1, s20  }
0x128: {  	p0 =	sne.s32 s20, $0x21  }
.Ltmp1:
0x129: {  	v2 =	vsub.f32 $0.0e+00, v2;
	(pc) =	sbr.rel @p0 .LBB2_2-.Ltmp1, $4  }
0x12a: {  	v3, _, _ =	vpop (xrf2)  }
0x12b: {  	v1 =	vsub.f32 $0.0e+00, v3;
	[tilespmem:v35+s16+$0x0] =	vst.idx.add.f32.msk vm5, v2  }
0x12c: {  	[tilespmem:v5+s16+$0x0] =	vst.idx.add.f32.msk vm0, v3  }
0x12d: {  	vm1 =	vmmov vm4;
	vm4 =	vmmov vm8;
	[tilespmem:v6+s16+$0x0] =	vst.idx.add.f32.msk vm2, v1  }
0x12e: {  	[hbm4b:s8+s11] =	stream.strided.scatter [tilespmem:s14], [sflag:$0x1], $0x4000, s12, s11, $0x38;
	[tilespmem:$0x14000] =	vst v63  }
0x12f: {  	s19 =	sadd.s32 $0x1, s19;
	_ =	swait.ge [sflag:s13], $0x4000  }
0x130: {  	p0 =	sne.s32 s19, s10;
	[sflag:s13] =	ssyncset.done $0x0  }
.Ltmp2:
0x131: {  	[sflag:s13] =	ssyncadd.s32 $0xFFFFC000;
	(pc) =	sbr.rel @p0 .LBB2_1-.Ltmp2, $4  }
0x132: {  	[hbm4b:s9+s11] =	stream.strided.scatter [tilespmem:s16], [sflag:$0x1], $0x4000, s12, s11, $0x38;
	[tilespmem:$0x14000] =	vst v63  }
0x133: {  	_ =	swait.ge [sflag:s13], $0x4000  }
0x134: {  	[sflag:s13] =	ssyncset.done $0x0  }
0x135: {  	[sflag:s13] =	ssyncadd.s32 $0xFFFFC000  }
0x136: {  	_ =	sfence.sel $0x180000  }
0x137: {  	[bflag:$0x0] =	sbarrier.arrive $0xFFFF  }
0x138: {  	p0 =	sne.s32 s2, $0x0;
	_ =	strace $0x90000047  }
0x139: {  	s0 =	sadd.s32 @!p0 $0x100000, s0;
	[bflag:$0x2] =	sbarrier.arrive $0xFFFF  }
0x13a: {  	[sflag:s0] =	ssyncadd.tile.s32 @!p0 $0x1;
	_ =	shalt  }
.Lfunc_end2:
_tile_overlayer_lowered:
.L_overlay_start_2:
0x13b: {  	(tag) =	ssettag $0x2  }
0x13c: {  	s0 =	rddreg [dreg:$0x0];
	s2 =	stileid.u32  }
0x13d: {  	s1 =	rddreg [dreg:$0x1];
	p0 =	sne.s32 s2, $0x0  }
0x13e: {  	s3 =	rddreg [dreg:$0x2];
	[bflag:$0x3] =	sbarrier.arrive $0xFFFF;
	s2 =	simm.s32 @!p0 $0x1C01  }
0x13f: {  	[timem:s3], [sflag:s2] =	dma.local @!p0 [hbm:s0], s1  }
0x140: {  	s0 =	simm.s32 @!p0 $0x1  }
0x141: {  	_ =	swait.ge @!p0 [sflag:s0], s1  }
0x142: {  	s1 =	ssub.s32 @!p0 $0x0, s1;
	[sflag:s0] =	ssyncset.done @!p0 $0x0  }
0x143: {  	[sflag:s0] =	ssyncadd.s32 @!p0 s1  }
0x144: {  	[bflag:$0x3] =	sbarrier.arrive $0xFFFF  }
0x145: {  	_ =	shalt  }

</sc_bundles>
